<compile_context>
chip_gen: v7x
topology: tpu7x:2x2x1
jax: 0.10.2.dev20260603
libtpu: 0.0.44.dev20260713+nightly
codegen_flags: <defaults>
</compile_context>

<pallas_src>
import functools

import jax
import jax.numpy as jnp
from jax import lax
from jax.experimental import pallas as pl
from jax.experimental.pallas import tpu as pltpu
from jax.experimental.pallas import tpu_sc as plsc

N_NODES = 10000
N_EDGES = 160000
F = 256
HALF = 128
NS = 16
EDGES_PER_TILE = N_EDGES // NS
B = 80
NBATCH = EDGES_PER_TILE // B
ROW_CHUNK = 640
LAST_CHUNK = N_NODES - 15 * ROW_CHUNK
RB = 1000



def _mm_body(h_ref, norm_ref, w_ref, out_ref):
    hn = h_ref[...] * norm_ref[...]
    res = jnp.dot(hn, w_ref[...], preferred_element_type=jnp.float32)
    out_ref[0] = res[:, :HALF]
    out_ref[1] = res[:, HALF:]


def _matmul(h, norm, weight):
    return pl.pallas_call(
        _mm_body,
        grid=(N_NODES // RB,),
        in_specs=[
            pl.BlockSpec((RB, F), lambda i: (i, 0)),
            pl.BlockSpec((RB, 1), lambda i: (i, 0)),
            pl.BlockSpec((F, F), lambda i: (0, 0)),
        ],
        out_specs=pl.BlockSpec((2, RB, HALF), lambda i: (0, i, 0)),
        out_shape=jax.ShapeDtypeStruct((2, N_NODES, HALF), jnp.float32),
    )(h, norm, weight)



_MESH = plsc.VectorSubcoreMesh(core_axis_name="c", subcore_axis_name="s")


@functools.partial(
    pl.kernel,
    mesh=_MESH,
    out_type=jax.ShapeDtypeStruct((2, N_NODES, HALF), jnp.float32),
    scratch_types=[
        pltpu.VMEM_SHARED((N_NODES, HALF), jnp.float32),
        pltpu.VMEM((EDGES_PER_TILE,), jnp.int32),
        pltpu.VMEM((EDGES_PER_TILE,), jnp.int32),
        pltpu.VMEM((B,), jnp.int32),
        pltpu.VMEM((B, HALF), jnp.float32),
        pltpu.VMEM((B, HALF), jnp.float32),
        pltpu.VMEM((B, HALF), jnp.float32),
        pltpu.SemaphoreType.DMA,
        pltpu.SemaphoreType.DMA,
        pltpu.SemaphoreType.DMA,
    ],
)
def _mp_kernel(hw_hbm, ei_hbm, out_hbm, acc_sh, sidx, didx, dstage,
               rows0, rows1, rows2, sem0, sem1, sem2):
    c = lax.axis_index("c")
    s = lax.axis_index("s")

    di_src = pltpu.async_copy(ei_hbm.at[0].at[s], sidx, sem0)
    di_dst = pltpu.async_copy(ei_hbm.at[1].at[s], didx, sem1)

    z16 = jnp.zeros((16,), jnp.float32)

    @pl.loop(0, B)
    def _(r):
        for j in range(HALF // 16):
            rows0[r, pl.ds(j * 16, 16)] = z16

    @pl.when(s < 15)
    def _():
        for t in range(ROW_CHUNK // B):
            pltpu.async_copy(
                rows0, acc_sh.at[pl.ds(s * ROW_CHUNK + t * B, B)], sem2)
        for t in range(ROW_CHUNK // B):
            pltpu.make_async_copy(
                rows0, acc_sh.at[pl.ds(s * ROW_CHUNK + t * B, B)],
                sem2).wait()

    @pl.when(s == 15)
    def _():
        for t in range(LAST_CHUNK // B):
            pltpu.async_copy(
                rows0, acc_sh.at[pl.ds(15 * ROW_CHUNK + t * B, B)], sem2)
        for t in range(LAST_CHUNK // B):
            pltpu.make_async_copy(
                rows0, acc_sh.at[pl.ds(15 * ROW_CHUNK + t * B, B)],
                sem2).wait()

    di_src.wait()
    di_dst.wait()

    def run_edges(hw_half):
        def gather(i, rows, sem):
            return pltpu.async_copy(
                hw_half.at[sidx.at[pl.ds(i * B, B)]], rows, sem)

        def scatter(i, rows):
            for k in range(B // 16):
                dstage[pl.ds(k * 16, 16)] = didx[pl.ds(i * B + k * 16, 16)]
            pltpu.sync_copy(rows, acc_sh.at[dstage], add=True)

        def wait_gather(rows, sem):
            pltpu.make_async_copy(
                hw_half.at[sidx.at[pl.ds(0, B)]], rows, sem).wait()

        gather(0, rows0, sem0)
        gather(1, rows1, sem1)
        plsc.subcore_barrier()

        @pl.loop(0, (NBATCH - 2) // 3)
        def _(j):
            b0 = 3 * j
            wait_gather(rows0, sem0)
            gather(b0 + 2, rows2, sem2)
            scatter(b0, rows0)
            wait_gather(rows1, sem1)
            gather(b0 + 3, rows0, sem0)
            scatter(b0 + 1, rows1)
            wait_gather(rows2, sem2)
            gather(b0 + 4, rows1, sem1)
            scatter(b0 + 2, rows2)

        wait_gather(rows0, sem0)
        scatter(NBATCH - 2, rows0)
        wait_gather(rows1, sem1)
        scatter(NBATCH - 1, rows1)

    @pl.when(c == 0)
    def _():
        run_edges(hw_hbm.at[0])

    @pl.when(c == 1)
    def _():
        run_edges(hw_hbm.at[1])

    plsc.subcore_barrier()

    def write_out(out_half):
        @pl.when(s < 15)
        def _():
            r0 = s * ROW_CHUNK
            pltpu.sync_copy(acc_sh.at[pl.ds(r0, ROW_CHUNK)],
                            out_half.at[pl.ds(r0, ROW_CHUNK)])

        @pl.when(s == 15)
        def _():
            pltpu.sync_copy(acc_sh.at[pl.ds(15 * ROW_CHUNK, LAST_CHUNK)],
                            out_half.at[pl.ds(15 * ROW_CHUNK, LAST_CHUNK)])

    @pl.when(c == 0)
    def _():
        write_out(out_hbm.at[0])

    @pl.when(c == 1)
    def _():
        write_out(out_hbm.at[1])



def _tail_body(acc_ref, norm_ref, bias_ref, out_ref):
    a = jnp.concatenate([acc_ref[0], acc_ref[1]], axis=1).astype(jnp.float32)
    out_ref[...] = jnp.maximum(a * norm_ref[...] + bias_ref[...], 0.0)


def _tail(acc, norm, bias2d):
    return pl.pallas_call(
        _tail_body,
        grid=(N_NODES // RB,),
        in_specs=[
            pl.BlockSpec((2, RB, HALF), lambda i: (0, i, 0)),
            pl.BlockSpec((RB, 1), lambda i: (i, 0)),
            pl.BlockSpec((1, F), lambda i: (0, 0)),
        ],
        out_specs=pl.BlockSpec((RB, F), lambda i: (i, 0)),
        out_shape=jax.ShapeDtypeStruct((N_NODES, F), jnp.float32),
    )(acc, norm, bias2d)


def kernel(h, norm, weight, bias, edge_index):
    ei = edge_index.astype(jnp.int32).reshape(2, NS, EDGES_PER_TILE)
    hw = _matmul(h, norm, weight)
    acc = _mp_kernel(hw, ei)
    return _tail(acc, norm, bias.reshape(1, F))

# --- scband reference (transcript-rebuilt; emitter-appended) ---
"""Pipeline reference for scband-gcnlayer1-74371653698003 (READ-ONLY COPY).

The authoritative reference and input builder live on the scoring server;
editing this copy changes nothing except your own understanding.
"""

import jax, jax.numpy as jnp
import numpy as np

N_NODES = 10000
N_EDGES = 160000
IN_FEATS = 256
OUT_FEATS = 256


def setup_inputs(seed: int = 0) -> dict:
    key = jax.random.key(seed)
    k_h, k_norm, k_ei, k_w, k_b = jax.random.split(key, 5)
    h = jax.random.normal(k_h, (N_NODES, IN_FEATS), dtype=jnp.float32)
    # norm ~ 1/sqrt(deg) style positive per-node normalizer
    norm = jax.random.uniform(k_norm, (N_NODES, 1), dtype=jnp.float32, minval=0.05, maxval=1.0)
    edge_index = jax.random.randint(k_ei, (2, N_EDGES), 0, N_NODES, dtype=jnp.int64)
    stdv = 1.0 / np.sqrt(OUT_FEATS)
    weight = jax.random.uniform(k_w, (IN_FEATS, OUT_FEATS), dtype=jnp.float32, minval=-stdv, maxval=stdv)
    bias = jax.random.uniform(k_b, (OUT_FEATS,), dtype=jnp.float32, minval=-stdv, maxval=stdv)
    return {"h": h, "norm": norm, "weight": weight, "bias": bias, "edge_index": edge_index}


def reference(h, norm, weight, bias, edge_index):
    # dropout p=0 -> identity
    h = jnp.dot(h, weight)
    h = h * norm
    src = edge_index[0]
    dst = edge_index[1]
    # update_all(copy_src('h' -> 'm'), sum('m' -> 'h')): gather from src, scatter-add at dst
    messages = jnp.take(h, src, axis=0)
    h = jax.ops.segment_sum(messages, dst, num_segments=h.shape[0])
    h = h * norm
    h = h + bias
    h = jax.nn.relu(h)
    return h

if __name__ == "__main__":
    import jax
    _d = setup_inputs()
    print(jax.jit(kernel)(*tuple(_d.values())))

</pallas_src>

<mosaic_0001>
#map = affine_map<(d0, d1) -> (0, 0, 0)>
module attributes {stable_mosaic.version = 14 : i64} {
  func.func @_mp_kernel(%arg0: i32, %arg1: i32, %arg2: memref<2x10000x128xf32, #tpu.memory_space<hbm>>, %arg3: memref<2x16x10000xi32, #tpu.memory_space<hbm>>, %arg4: memref<2x10000x128xf32, #tpu.memory_space<hbm>>, %arg5: memref<10000x128xf32, #tpu.memory_space<vmem_shared>>, %arg6: memref<10000xi32, #tpu.memory_space<vmem>>, %arg7: memref<10000xi32, #tpu.memory_space<vmem>>, %arg8: memref<80xi32, #tpu.memory_space<vmem>>, %arg9: memref<80x128xf32, #tpu.memory_space<vmem>>, %arg10: memref<80x128xf32, #tpu.memory_space<vmem>>, %arg11: memref<80x128xf32, #tpu.memory_space<vmem>>, %arg12: memref<!tpu.dma_semaphore, #tpu.memory_space<semaphore_mem>>, %arg13: memref<!tpu.dma_semaphore, #tpu.memory_space<semaphore_mem>>, %arg14: memref<!tpu.dma_semaphore, #tpu.memory_space<semaphore_mem>>) attributes {dimension_semantics = [#tpu.dimension_semantics<core_parallel>, #tpu.dimension_semantics<subcore_parallel>], iteration_bounds = array<i64: 2, 16>, scalar_prefetch = 0 : i64, scratch_operands = 10 : i64, tpu.core_type = #tpu.core_type<sc_vector_subcore>, window_params = [{transform_indices = #map}, {transform_indices = #map}, {transform_indices = #map}]} {
    %dma_start3A = arith.constant 0 : i32
    %dma_start3A_0 = arith.constant 0 : i32
    %dma_start3A_1 = arith.constant 0 : i32
    %dma_start3A_2 = tpu.memref_slice %arg3[%dma_start3A, %dma_start3A_0, %dma_start3A_1] : memref<2x16x10000xi32, #tpu.memory_space<hbm>> -> memref<1x16x10000xi32, #tpu.memory_space<hbm>>
    %dma_start3A_3 = tpu.memref_squeeze %dma_start3A_2 : memref<1x16x10000xi32, #tpu.memory_space<hbm>> -> memref<16x10000xi32, #tpu.memory_space<hbm>>
    %dma_start3A_4 = arith.constant 0 : i32
    %dma_start3A_5 = tpu.memref_slice %dma_start3A_3[%arg1, %dma_start3A_4] : memref<16x10000xi32, #tpu.memory_space<hbm>> -> memref<1x10000xi32, #tpu.memory_space<hbm>>
    %dma_start3A_6 = tpu.memref_squeeze %dma_start3A_5 : memref<1x10000xi32, #tpu.memory_space<hbm>> -> memref<10000xi32, #tpu.memory_space<hbm>>
    %dma_start3A_7 = arith.constant 0 : i32
    %dma_start3A_8 = arith.constant 0 : i32
    %dma_start3A_9 = tpu.memref_slice %arg3[%dma_start3A, %dma_start3A_7, %dma_start3A_8] : memref<2x16x10000xi32, #tpu.memory_space<hbm>> -> memref<1x16x10000xi32, #tpu.memory_space<hbm>>
    %dma_start3A_10 = tpu.memref_squeeze %dma_start3A_9 : memref<1x16x10000xi32, #tpu.memory_space<hbm>> -> memref<16x10000xi32, #tpu.memory_space<hbm>>
    %dma_start3A_11 = arith.constant 0 : i32
    %dma_start3A_12 = tpu.memref_slice %dma_start3A_10[%arg1, %dma_start3A_11] : memref<16x10000xi32, #tpu.memory_space<hbm>> -> memref<1x10000xi32, #tpu.memory_space<hbm>>
    %dma_start3A_13 = tpu.memref_squeeze %dma_start3A_12 : memref<1x10000xi32, #tpu.memory_space<hbm>> -> memref<10000xi32, #tpu.memory_space<hbm>>
    tpu.enqueue_dma source(%dma_start3A_13 : memref<10000xi32, #tpu.memory_space<hbm>>) target(%arg6 : memref<10000xi32, #tpu.memory_space<vmem>>) target_semaphore(%arg12 : memref<!tpu.dma_semaphore, #tpu.memory_space<semaphore_mem>>)
    %dma_start3A_14 = arith.constant 1 : i32
    %dma_start3A_15 = arith.constant 0 : i32
    %dma_start3A_16 = arith.constant 0 : i32
    %dma_start3A_17 = tpu.memref_slice %arg3[%dma_start3A_14, %dma_start3A_15, %dma_start3A_16] : memref<2x16x10000xi32, #tpu.memory_space<hbm>> -> memref<1x16x10000xi32, #tpu.memory_space<hbm>>
    %dma_start3A_18 = tpu.memref_squeeze %dma_start3A_17 : memref<1x16x10000xi32, #tpu.memory_space<hbm>> -> memref<16x10000xi32, #tpu.memory_space<hbm>>
    %dma_start3A_19 = arith.constant 0 : i32
    %dma_start3A_20 = tpu.memref_slice %dma_start3A_18[%arg1, %dma_start3A_19] : memref<16x10000xi32, #tpu.memory_space<hbm>> -> memref<1x10000xi32, #tpu.memory_space<hbm>>
    %dma_start3A_21 = tpu.memref_squeeze %dma_start3A_20 : memref<1x10000xi32, #tpu.memory_space<hbm>> -> memref<10000xi32, #tpu.memory_space<hbm>>
    %dma_start3A_22 = arith.constant 0 : i32
    %dma_start3A_23 = arith.constant 0 : i32
    %dma_start3A_24 = tpu.memref_slice %arg3[%dma_start3A_14, %dma_start3A_22, %dma_start3A_23] : memref<2x16x10000xi32, #tpu.memory_space<hbm>> -> memref<1x16x10000xi32, #tpu.memory_space<hbm>>
    %dma_start3A_25 = tpu.memref_squeeze %dma_start3A_24 : memref<1x16x10000xi32, #tpu.memory_space<hbm>> -> memref<16x10000xi32, #tpu.memory_space<hbm>>
    %dma_start3A_26 = arith.constant 0 : i32
    %dma_start3A_27 = tpu.memref_slice %dma_start3A_25[%arg1, %dma_start3A_26] : memref<16x10000xi32, #tpu.memory_space<hbm>> -> memref<1x10000xi32, #tpu.memory_space<hbm>>
    %dma_start3A_28 = tpu.memref_squeeze %dma_start3A_27 : memref<1x10000xi32, #tpu.memory_space<hbm>> -> memref<10000xi32, #tpu.memory_space<hbm>>
    tpu.enqueue_dma source(%dma_start3A_28 : memref<10000xi32, #tpu.memory_space<hbm>>) target(%arg7 : memref<10000xi32, #tpu.memory_space<vmem>>) target_semaphore(%arg13 : memref<!tpu.dma_semaphore, #tpu.memory_space<semaphore_mem>>)
    %broadcast_in_dim3A = arith.constant 0.000000e+00 : f32
    %broadcast_in_dim3A_29 = vector.broadcast %broadcast_in_dim3A : f32 to vector<16xf32>
    %scan3A = arith.constant 0 : i32
    %scan3A_30 = arith.constant 80 : i32
    %scan3A_31 = arith.addi %scan3A, %scan3A_30 : i32
    %scan3A_32 = arith.constant 1 : i32
    scf.for %scan3A_89 = %scan3A to %scan3A_31 step %scan3A_32  : i32 {
      %mul3A = arith.constant 1 : i32
      %mul3A_90 = arith.muli %scan3A_89, %mul3A : i32
      %add3A = arith.constant 0 : i32
      %add3A_91 = arith.addi %add3A, %mul3A_90 : i32
      %swap3A = arith.index_cast %add3A_91 : i32 to index
      %swap3A_92 = arith.constant 0 : index
      %swap3A_93 = tpu.vector_load %arg9[%swap3A, %swap3A_92] {strides = array<i32>} : memref<80x128xf32, #tpu.memory_space<vmem>>, vector<1x16xf32>,
      %swap3A_94 = vector.shape_cast %swap3A_93 : vector<1x16xf32> to vector<16xf32>
      %swap3A_95 = vector.shape_cast %broadcast_in_dim3A_29 : vector<16xf32> to vector<1x16xf32>
      tpu.vector_store %arg9[%swap3A, %swap3A_92], %swap3A_95 {strides = array<i32>} : memref<80x128xf32, #tpu.memory_space<vmem>>, vector<1x16xf32>,
      %swap3A_96 = arith.index_cast %add3A_91 : i32 to index
      %swap3A_97 = arith.constant 16 : index
      %swap3A_98 = tpu.vector_load %arg9[%swap3A_96, %swap3A_97] {strides = array<i32>} : memref<80x128xf32, #tpu.memory_space<vmem>>, vector<1x16xf32>,
      %swap3A_99 = vector.shape_cast %swap3A_98 : vector<1x16xf32> to vector<16xf32>
      %swap3A_100 = vector.shape_cast %broadcast_in_dim3A_29 : vector<16xf32> to vector<1x16xf32>
      tpu.vector_store %arg9[%swap3A_96, %swap3A_97], %swap3A_100 {strides = array<i32>} : memref<80x128xf32, #tpu.memory_space<vmem>>, vector<1x16xf32>,
      %swap3A_101 = arith.index_cast %add3A_91 : i32 to index
      %swap3A_102 = arith.constant 32 : index
      %swap3A_103 = tpu.vector_load %arg9[%swap3A_101, %swap3A_102] {strides = array<i32>} : memref<80x128xf32, #tpu.memory_space<vmem>>, vector<1x16xf32>,
      %swap3A_104 = vector.shape_cast %swap3A_103 : vector<1x16xf32> to vector<16xf32>
      %swap3A_105 = vector.shape_cast %broadcast_in_dim3A_29 : vector<16xf32> to vector<1x16xf32>
      tpu.vector_store %arg9[%swap3A_101, %swap3A_102], %swap3A_105 {strides = array<i32>} : memref<80x128xf32, #tpu.memory_space<vmem>>, vector<1x16xf32>,
      %swap3A_106 = arith.index_cast %add3A_91 : i32 to index
      %swap3A_107 = arith.constant 48 : index
      %swap3A_108 = tpu.vector_load %arg9[%swap3A_106, %swap3A_107] {strides = array<i32>} : memref<80x128xf32, #tpu.memory_space<vmem>>, vector<1x16xf32>,
      %swap3A_109 = vector.shape_cast %swap3A_108 : vector<1x16xf32> to vector<16xf32>
      %swap3A_110 = vector.shape_cast %broadcast_in_dim3A_29 : vector<16xf32> to vector<1x16xf32>
      tpu.vector_store %arg9[%swap3A_106, %swap3A_107], %swap3A_110 {strides = array<i32>} : memref<80x128xf32, #tpu.memory_space<vmem>>, vector<1x16xf32>,
      %swap3A_111 = arith.index_cast %add3A_91 : i32 to index
      %swap3A_112 = arith.constant 64 : index
      %swap3A_113 = tpu.vector_load %arg9[%swap3A_111, %swap3A_112] {strides = array<i32>} : memref<80x128xf32, #tpu.memory_space<vmem>>, vector<1x16xf32>,
      %swap3A_114 = vector.shape_cast %swap3A_113 : vector<1x16xf32> to vector<16xf32>
      %swap3A_115 = vector.shape_cast %broadcast_in_dim3A_29 : vector<16xf32> to vector<1x16xf32>
      tpu.vector_store %arg9[%swap3A_111, %swap3A_112], %swap3A_115 {strides = array<i32>} : memref<80x128xf32, #tpu.memory_space<vmem>>, vector<1x16xf32>,
      %swap3A_116 = arith.index_cast %add3A_91 : i32 to index
      %swap3A_117 = arith.constant 80 : index
      %swap3A_118 = tpu.vector_load %arg9[%swap3A_116, %swap3A_117] {strides = array<i32>} : memref<80x128xf32, #tpu.memory_space<vmem>>, vector<1x16xf32>,
      %swap3A_119 = vector.shape_cast %swap3A_118 : vector<1x16xf32> to vector<16xf32>
      %swap3A_120 = vector.shape_cast %broadcast_in_dim3A_29 : vector<16xf32> to vector<1x16xf32>
      tpu.vector_store %arg9[%swap3A_116, %swap3A_117], %swap3A_120 {strides = array<i32>} : memref<80x128xf32, #tpu.memory_space<vmem>>, vector<1x16xf32>,
      %swap3A_121 = arith.index_cast %add3A_91 : i32 to index
      %swap3A_122 = arith.constant 96 : index
      %swap3A_123 = tpu.vector_load %arg9[%swap3A_121, %swap3A_122] {strides = array<i32>} : memref<80x128xf32, #tpu.memory_space<vmem>>, vector<1x16xf32>,
      %swap3A_124 = vector.shape_cast %swap3A_123 : vector<1x16xf32> to vector<16xf32>
      %swap3A_125 = vector.shape_cast %broadcast_in_dim3A_29 : vector<16xf32> to vector<1x16xf32>
      tpu.vector_store %arg9[%swap3A_121, %swap3A_122], %swap3A_125 {strides = array<i32>} : memref<80x128xf32, #tpu.memory_space<vmem>>, vector<1x16xf32>,
      %swap3A_126 = arith.index_cast %add3A_91 : i32 to index
      %swap3A_127 = arith.constant 112 : index
      %swap3A_128 = tpu.vector_load %arg9[%swap3A_126, %swap3A_127] {strides = array<i32>} : memref<80x128xf32, #tpu.memory_space<vmem>>, vector<1x16xf32>,
      %swap3A_129 = vector.shape_cast %swap3A_128 : vector<1x16xf32> to vector<16xf32>
      %swap3A_130 = vector.shape_cast %broadcast_in_dim3A_29 : vector<16xf32> to vector<1x16xf32>
      tpu.vector_store %arg9[%swap3A_126, %swap3A_127], %swap3A_130 {strides = array<i32>} : memref<80x128xf32, #tpu.memory_space<vmem>>, vector<1x16xf32>,
    }
    %scan3A_33 = arith.constant 80 : i32
    %lt3A = arith.constant 15 : i32
    %lt3A_34 = arith.cmpi slt, %arg1, %lt3A : i32
    %convert_element_type3A = arith.extui %lt3A_34 : i1 to i32
    %cond3A = arith.constant 0 : i32
    %cond3A_35 = arith.cmpi ne, %convert_element_type3A, %cond3A : i32
    scf.if %cond3A_35 {
      %mul3A = arith.constant 640 : i32
      %mul3A_89 = arith.muli %arg1, %mul3A : i32
      %add3A = arith.constant 0 : i32
      %add3A_90 = arith.addi %mul3A_89, %add3A : i32
      %dma_start3A_91 = arith.constant 0 : i32
      %dma_start3A_92 = tpu.memref_slice %arg5[%add3A_90, %dma_start3A_91] : memref<10000x128xf32, #tpu.memory_space<vmem_shared>> -> memref<80x128xf32, #tpu.memory_space<vmem_shared>>
      %dma_start3A_93 = arith.constant 0 : i32
      %dma_start3A_94 = tpu.memref_slice %arg5[%add3A_90, %dma_start3A_93] : memref<10000x128xf32, #tpu.memory_space<vmem_shared>> -> memref<80x128xf32, #tpu.memory_space<vmem_shared>>
      tpu.enqueue_dma source(%arg9 : memref<80x128xf32, #tpu.memory_space<vmem>>) target(%dma_start3A_94 : memref<80x128xf32, #tpu.memory_space<vmem_shared>>) target_semaphore(%arg14 : memref<!tpu.dma_semaphore, #tpu.memory_space<semaphore_mem>>)
      %mul3A_95 = arith.constant 640 : i32
      %mul3A_96 = arith.muli %arg1, %mul3A_95 : i32
      %add3A_97 = arith.constant 80 : i32
      %add3A_98 = arith.addi %mul3A_96, %add3A_97 : i32
      %dma_start3A_99 = arith.constant 0 : i32
      %dma_start3A_100 = tpu.memref_slice %arg5[%add3A_98, %dma_start3A_99] : memref<10000x128xf32, #tpu.memory_space<vmem_shared>> -> memref<80x128xf32, #tpu.memory_space<vmem_shared>>
      %dma_start3A_101 = arith.constant 0 : i32
      %dma_start3A_102 = tpu.memref_slice %arg5[%add3A_98, %dma_start3A_101] : memref<10000x128xf32, #tpu.memory_space<vmem_shared>> -> memref<80x128xf32, #tpu.memory_space<vmem_shared>>
      tpu.enqueue_dma source(%arg9 : memref<80x128xf32, #tpu.memory_space<vmem>>) target(%dma_start3A_102 : memref<80x128xf32, #tpu.memory_space<vmem_shared>>) target_semaphore(%arg14 : memref<!tpu.dma_semaphore, #tpu.memory_space<semaphore_mem>>)
      %mul3A_103 = arith.constant 640 : i32
      %mul3A_104 = arith.muli %arg1, %mul3A_103 : i32
      %add3A_105 = arith.constant 160 : i32
      %add3A_106 = arith.addi %mul3A_104, %add3A_105 : i32
      %dma_start3A_107 = arith.constant 0 : i32
      %dma_start3A_108 = tpu.memref_slice %arg5[%add3A_106, %dma_start3A_107] : memref<10000x128xf32, #tpu.memory_space<vmem_shared>> -> memref<80x128xf32, #tpu.memory_space<vmem_shared>>
      %dma_start3A_109 = arith.constant 0 : i32
      %dma_start3A_110 = tpu.memref_slice %arg5[%add3A_106, %dma_start3A_109] : memref<10000x128xf32, #tpu.memory_space<vmem_shared>> -> memref<80x128xf32, #tpu.memory_space<vmem_shared>>
      tpu.enqueue_dma source(%arg9 : memref<80x128xf32, #tpu.memory_space<vmem>>) target(%dma_start3A_110 : memref<80x128xf32, #tpu.memory_space<vmem_shared>>) target_semaphore(%arg14 : memref<!tpu.dma_semaphore, #tpu.memory_space<semaphore_mem>>)
      %mul3A_111 = arith.constant 640 : i32
      %mul3A_112 = arith.muli %arg1, %mul3A_111 : i32
      %add3A_113 = arith.constant 240 : i32
      %add3A_114 = arith.addi %mul3A_112, %add3A_113 : i32
      %dma_start3A_115 = arith.constant 0 : i32
      %dma_start3A_116 = tpu.memref_slice %arg5[%add3A_114, %dma_start3A_115] : memref<10000x128xf32, #tpu.memory_space<vmem_shared>> -> memref<80x128xf32, #tpu.memory_space<vmem_shared>>
      %dma_start3A_117 = arith.constant 0 : i32
      %dma_start3A_118 = tpu.memref_slice %arg5[%add3A_114, %dma_start3A_117] : memref<10000x128xf32, #tpu.memory_space<vmem_shared>> -> memref<80x128xf32, #tpu.memory_space<vmem_shared>>
      tpu.enqueue_dma source(%arg9 : memref<80x128xf32, #tpu.memory_space<vmem>>) target(%dma_start3A_118 : memref<80x128xf32, #tpu.memory_space<vmem_shared>>) target_semaphore(%arg14 : memref<!tpu.dma_semaphore, #tpu.memory_space<semaphore_mem>>)
      %mul3A_119 = arith.constant 640 : i32
      %mul3A_120 = arith.muli %arg1, %mul3A_119 : i32
      %add3A_121 = arith.constant 320 : i32
      %add3A_122 = arith.addi %mul3A_120, %add3A_121 : i32
      %dma_start3A_123 = arith.constant 0 : i32
      %dma_start3A_124 = tpu.memref_slice %arg5[%add3A_122, %dma_start3A_123] : memref<10000x128xf32, #tpu.memory_space<vmem_shared>> -> memref<80x128xf32, #tpu.memory_space<vmem_shared>>
      %dma_start3A_125 = arith.constant 0 : i32
      %dma_start3A_126 = tpu.memref_slice %arg5[%add3A_122, %dma_start3A_125] : memref<10000x128xf32, #tpu.memory_space<vmem_shared>> -> memref<80x128xf32, #tpu.memory_space<vmem_shared>>
      tpu.enqueue_dma source(%arg9 : memref<80x128xf32, #tpu.memory_space<vmem>>) target(%dma_start3A_126 : memref<80x128xf32, #tpu.memory_space<vmem_shared>>) target_semaphore(%arg14 : memref<!tpu.dma_semaphore, #tpu.memory_space<semaphore_mem>>)
      %mul3A_127 = arith.constant 640 : i32
      %mul3A_128 = arith.muli %arg1, %mul3A_127 : i32
      %add3A_129 = arith.constant 400 : i32
      %add3A_130 = arith.addi %mul3A_128, %add3A_129 : i32
      %dma_start3A_131 = arith.constant 0 : i32
      %dma_start3A_132 = tpu.memref_slice %arg5[%add3A_130, %dma_start3A_131] : memref<10000x128xf32, #tpu.memory_space<vmem_shared>> -> memref<80x128xf32, #tpu.memory_space<vmem_shared>>
      %dma_start3A_133 = arith.constant 0 : i32
      %dma_start3A_134 = tpu.memref_slice %arg5[%add3A_130, %dma_start3A_133] : memref<10000x128xf32, #tpu.memory_space<vmem_shared>> -> memref<80x128xf32, #tpu.memory_space<vmem_shared>>
      tpu.enqueue_dma source(%arg9 : memref<80x128xf32, #tpu.memory_space<vmem>>) target(%dma_start3A_134 : memref<80x128xf32, #tpu.memory_space<vmem_shared>>) target_semaphore(%arg14 : memref<!tpu.dma_semaphore, #tpu.memory_space<semaphore_mem>>)
      %mul3A_135 = arith.constant 640 : i32
      %mul3A_136 = arith.muli %arg1, %mul3A_135 : i32
      %add3A_137 = arith.constant 480 : i32
      %add3A_138 = arith.addi %mul3A_136, %add3A_137 : i32
      %dma_start3A_139 = arith.constant 0 : i32
      %dma_start3A_140 = tpu.memref_slice %arg5[%add3A_138, %dma_start3A_139] : memref<10000x128xf32, #tpu.memory_space<vmem_shared>> -> memref<80x128xf32, #tpu.memory_space<vmem_shared>>
      %dma_start3A_141 = arith.constant 0 : i32
      %dma_start3A_142 = tpu.memref_slice %arg5[%add3A_138, %dma_start3A_141] : memref<10000x128xf32, #tpu.memory_space<vmem_shared>> -> memref<80x128xf32, #tpu.memory_space<vmem_shared>>
      tpu.enqueue_dma source(%arg9 : memref<80x128xf32, #tpu.memory_space<vmem>>) target(%dma_start3A_142 : memref<80x128xf32, #tpu.memory_space<vmem_shared>>) target_semaphore(%arg14 : memref<!tpu.dma_semaphore, #tpu.memory_space<semaphore_mem>>)
      %mul3A_143 = arith.constant 640 : i32
      %mul3A_144 = arith.muli %arg1, %mul3A_143 : i32
      %add3A_145 = arith.constant 560 : i32
      %add3A_146 = arith.addi %mul3A_144, %add3A_145 : i32
      %dma_start3A_147 = arith.constant 0 : i32
      %dma_start3A_148 = tpu.memref_slice %arg5[%add3A_146, %dma_start3A_147] : memref<10000x128xf32, #tpu.memory_space<vmem_shared>> -> memref<80x128xf32, #tpu.memory_space<vmem_shared>>
      %dma_start3A_149 = arith.constant 0 : i32
      %dma_start3A_150 = tpu.memref_slice %arg5[%add3A_146, %dma_start3A_149] : memref<10000x128xf32, #tpu.memory_space<vmem_shared>> -> memref<80x128xf32, #tpu.memory_space<vmem_shared>>
      tpu.enqueue_dma source(%arg9 : memref<80x128xf32, #tpu.memory_space<vmem>>) target(%dma_start3A_150 : memref<80x128xf32, #tpu.memory_space<vmem_shared>>) target_semaphore(%arg14 : memref<!tpu.dma_semaphore, #tpu.memory_space<semaphore_mem>>)
      %mul3A_151 = arith.constant 640 : i32
      %mul3A_152 = arith.muli %arg1, %mul3A_151 : i32
      %add3A_153 = arith.constant 0 : i32
      %add3A_154 = arith.addi %mul3A_152, %add3A_153 : i32
      %dma_wait3A_155 = arith.constant 0 : i32
      %dma_wait3A_156 = tpu.memref_slice %arg5[%add3A_154, %dma_wait3A_155] : memref<10000x128xf32, #tpu.memory_space<vmem_shared>> -> memref<80x128xf32, #tpu.memory_space<vmem_shared>>
      %dma_wait3A_157 = arith.constant 0 : i32
      %dma_wait3A_158 = tpu.memref_slice %arg5[%add3A_154, %dma_wait3A_157] : memref<10000x128xf32, #tpu.memory_space<vmem_shared>> -> memref<80x128xf32, #tpu.memory_space<vmem_shared>>
      tpu.wait_dma2 semaphore(%arg14 : memref<!tpu.dma_semaphore, #tpu.memory_space<semaphore_mem>>) src(%arg9 : memref<80x128xf32, #tpu.memory_space<vmem>>) dst(%dma_wait3A_158 : memref<80x128xf32, #tpu.memory_space<vmem_shared>>)
      %mul3A_159 = arith.constant 640 : i32
      %mul3A_160 = arith.muli %arg1, %mul3A_159 : i32
      %add3A_161 = arith.constant 80 : i32
      %add3A_162 = arith.addi %mul3A_160, %add3A_161 : i32
      %dma_wait3A_163 = arith.constant 0 : i32
      %dma_wait3A_164 = tpu.memref_slice %arg5[%add3A_162, %dma_wait3A_163] : memref<10000x128xf32, #tpu.memory_space<vmem_shared>> -> memref<80x128xf32, #tpu.memory_space<vmem_shared>>
      %dma_wait3A_165 = arith.constant 0 : i32
      %dma_wait3A_166 = tpu.memref_slice %arg5[%add3A_162, %dma_wait3A_165] : memref<10000x128xf32, #tpu.memory_space<vmem_shared>> -> memref<80x128xf32, #tpu.memory_space<vmem_shared>>
      tpu.wait_dma2 semaphore(%arg14 : memref<!tpu.dma_semaphore, #tpu.memory_space<semaphore_mem>>) src(%arg9 : memref<80x128xf32, #tpu.memory_space<vmem>>) dst(%dma_wait3A_166 : memref<80x128xf32, #tpu.memory_space<vmem_shared>>)
      %mul3A_167 = arith.constant 640 : i32
      %mul3A_168 = arith.muli %arg1, %mul3A_167 : i32
      %add3A_169 = arith.constant 160 : i32
      %add3A_170 = arith.addi %mul3A_168, %add3A_169 : i32
      %dma_wait3A_171 = arith.constant 0 : i32
      %dma_wait3A_172 = tpu.memref_slice %arg5[%add3A_170, %dma_wait3A_171] : memref<10000x128xf32, #tpu.memory_space<vmem_shared>> -> memref<80x128xf32, #tpu.memory_space<vmem_shared>>
      %dma_wait3A_173 = arith.constant 0 : i32
      %dma_wait3A_174 = tpu.memref_slice %arg5[%add3A_170, %dma_wait3A_173] : memref<10000x128xf32, #tpu.memory_space<vmem_shared>> -> memref<80x128xf32, #tpu.memory_space<vmem_shared>>
      tpu.wait_dma2 semaphore(%arg14 : memref<!tpu.dma_semaphore, #tpu.memory_space<semaphore_mem>>) src(%arg9 : memref<80x128xf32, #tpu.memory_space<vmem>>) dst(%dma_wait3A_174 : memref<80x128xf32, #tpu.memory_space<vmem_shared>>)
      %mul3A_175 = arith.constant 640 : i32
      %mul3A_176 = arith.muli %arg1, %mul3A_175 : i32
      %add3A_177 = arith.constant 240 : i32
      %add3A_178 = arith.addi %mul3A_176, %add3A_177 : i32
      %dma_wait3A_179 = arith.constant 0 : i32
      %dma_wait3A_180 = tpu.memref_slice %arg5[%add3A_178, %dma_wait3A_179] : memref<10000x128xf32, #tpu.memory_space<vmem_shared>> -> memref<80x128xf32, #tpu.memory_space<vmem_shared>>
      %dma_wait3A_181 = arith.constant 0 : i32
      %dma_wait3A_182 = tpu.memref_slice %arg5[%add3A_178, %dma_wait3A_181] : memref<10000x128xf32, #tpu.memory_space<vmem_shared>> -> memref<80x128xf32, #tpu.memory_space<vmem_shared>>
      tpu.wait_dma2 semaphore(%arg14 : memref<!tpu.dma_semaphore, #tpu.memory_space<semaphore_mem>>) src(%arg9 : memref<80x128xf32, #tpu.memory_space<vmem>>) dst(%dma_wait3A_182 : memref<80x128xf32, #tpu.memory_space<vmem_shared>>)
      %mul3A_183 = arith.constant 640 : i32
      %mul3A_184 = arith.muli %arg1, %mul3A_183 : i32
      %add3A_185 = arith.constant 320 : i32
      %add3A_186 = arith.addi %mul3A_184, %add3A_185 : i32
      %dma_wait3A_187 = arith.constant 0 : i32
      %dma_wait3A_188 = tpu.memref_slice %arg5[%add3A_186, %dma_wait3A_187] : memref<10000x128xf32, #tpu.memory_space<vmem_shared>> -> memref<80x128xf32, #tpu.memory_space<vmem_shared>>
      %dma_wait3A_189 = arith.constant 0 : i32
      %dma_wait3A_190 = tpu.memref_slice %arg5[%add3A_186, %dma_wait3A_189] : memref<10000x128xf32, #tpu.memory_space<vmem_shared>> -> memref<80x128xf32, #tpu.memory_space<vmem_shared>>
      tpu.wait_dma2 semaphore(%arg14 : memref<!tpu.dma_semaphore, #tpu.memory_space<semaphore_mem>>) src(%arg9 : memref<80x128xf32, #tpu.memory_space<vmem>>) dst(%dma_wait3A_190 : memref<80x128xf32, #tpu.memory_space<vmem_shared>>)
      %mul3A_191 = arith.constant 640 : i32
      %mul3A_192 = arith.muli %arg1, %mul3A_191 : i32
      %add3A_193 = arith.constant 400 : i32
      %add3A_194 = arith.addi %mul3A_192, %add3A_193 : i32
      %dma_wait3A_195 = arith.constant 0 : i32
      %dma_wait3A_196 = tpu.memref_slice %arg5[%add3A_194, %dma_wait3A_195] : memref<10000x128xf32, #tpu.memory_space<vmem_shared>> -> memref<80x128xf32, #tpu.memory_space<vmem_shared>>
      %dma_wait3A_197 = arith.constant 0 : i32
      %dma_wait3A_198 = tpu.memref_slice %arg5[%add3A_194, %dma_wait3A_197] : memref<10000x128xf32, #tpu.memory_space<vmem_shared>> -> memref<80x128xf32, #tpu.memory_space<vmem_shared>>
      tpu.wait_dma2 semaphore(%arg14 : memref<!tpu.dma_semaphore, #tpu.memory_space<semaphore_mem>>) src(%arg9 : memref<80x128xf32, #tpu.memory_space<vmem>>) dst(%dma_wait3A_198 : memref<80x128xf32, #tpu.memory_space<vmem_shared>>)
      %mul3A_199 = arith.constant 640 : i32
      %mul3A_200 = arith.muli %arg1, %mul3A_199 : i32
      %add3A_201 = arith.constant 480 : i32
      %add3A_202 = arith.addi %mul3A_200, %add3A_201 : i32
      %dma_wait3A_203 = arith.constant 0 : i32
      %dma_wait3A_204 = tpu.memref_slice %arg5[%add3A_202, %dma_wait3A_203] : memref<10000x128xf32, #tpu.memory_space<vmem_shared>> -> memref<80x128xf32, #tpu.memory_space<vmem_shared>>
      %dma_wait3A_205 = arith.constant 0 : i32
      %dma_wait3A_206 = tpu.memref_slice %arg5[%add3A_202, %dma_wait3A_205] : memref<10000x128xf32, #tpu.memory_space<vmem_shared>> -> memref<80x128xf32, #tpu.memory_space<vmem_shared>>
      tpu.wait_dma2 semaphore(%arg14 : memref<!tpu.dma_semaphore, #tpu.memory_space<semaphore_mem>>) src(%arg9 : memref<80x128xf32, #tpu.memory_space<vmem>>) dst(%dma_wait3A_206 : memref<80x128xf32, #tpu.memory_space<vmem_shared>>)
      %mul3A_207 = arith.constant 640 : i32
      %mul3A_208 = arith.muli %arg1, %mul3A_207 : i32
      %add3A_209 = arith.constant 560 : i32
      %add3A_210 = arith.addi %mul3A_208, %add3A_209 : i32
      %dma_wait3A_211 = arith.constant 0 : i32
      %dma_wait3A_212 = tpu.memref_slice %arg5[%add3A_210, %dma_wait3A_211] : memref<10000x128xf32, #tpu.memory_space<vmem_shared>> -> memref<80x128xf32, #tpu.memory_space<vmem_shared>>
      %dma_wait3A_213 = arith.constant 0 : i32
      %dma_wait3A_214 = tpu.memref_slice %arg5[%add3A_210, %dma_wait3A_213] : memref<10000x128xf32, #tpu.memory_space<vmem_shared>> -> memref<80x128xf32, #tpu.memory_space<vmem_shared>>
      tpu.wait_dma2 semaphore(%arg14 : memref<!tpu.dma_semaphore, #tpu.memory_space<semaphore_mem>>) src(%arg9 : memref<80x128xf32, #tpu.memory_space<vmem>>) dst(%dma_wait3A_214 : memref<80x128xf32, #tpu.memory_space<vmem_shared>>)
    } else {
    }
    %eq3A = arith.constant 15 : i32
    %eq3A_36 = arith.cmpi eq, %arg1, %eq3A : i32
    %convert_element_type3A_37 = arith.extui %eq3A_36 : i1 to i32
    %cond3A_38 = arith.constant 0 : i32
    %cond3A_39 = arith.cmpi ne, %convert_element_type3A_37, %cond3A_38 : i32
    scf.if %cond3A_39 {
      %dma_start3A_89 = arith.constant 9600 : i32
      %dma_start3A_90 = arith.constant 0 : i32
      %dma_start3A_91 = tpu.memref_slice %arg5[%dma_start3A_89, %dma_start3A_90] : memref<10000x128xf32, #tpu.memory_space<vmem_shared>> -> memref<80x128xf32, #tpu.memory_space<vmem_shared>>
      %dma_start3A_92 = arith.constant 9600 : i32
      %dma_start3A_93 = arith.constant 0 : i32
      %dma_start3A_94 = tpu.memref_slice %arg5[%dma_start3A_92, %dma_start3A_93] : memref<10000x128xf32, #tpu.memory_space<vmem_shared>> -> memref<80x128xf32, #tpu.memory_space<vmem_shared>>
      tpu.enqueue_dma source(%arg9 : memref<80x128xf32, #tpu.memory_space<vmem>>) target(%dma_start3A_94 : memref<80x128xf32, #tpu.memory_space<vmem_shared>>) target_semaphore(%arg14 : memref<!tpu.dma_semaphore, #tpu.memory_space<semaphore_mem>>)
      %dma_start3A_95 = arith.constant 9680 : i32
      %dma_start3A_96 = arith.constant 0 : i32
      %dma_start3A_97 = tpu.memref_slice %arg5[%dma_start3A_95, %dma_start3A_96] : memref<10000x128xf32, #tpu.memory_space<vmem_shared>> -> memref<80x128xf32, #tpu.memory_space<vmem_shared>>
      %dma_start3A_98 = arith.constant 9680 : i32
      %dma_start3A_99 = arith.constant 0 : i32
      %dma_start3A_100 = tpu.memref_slice %arg5[%dma_start3A_98, %dma_start3A_99] : memref<10000x128xf32, #tpu.memory_space<vmem_shared>> -> memref<80x128xf32, #tpu.memory_space<vmem_shared>>
      tpu.enqueue_dma source(%arg9 : memref<80x128xf32, #tpu.memory_space<vmem>>) target(%dma_start3A_100 : memref<80x128xf32, #tpu.memory_space<vmem_shared>>) target_semaphore(%arg14 : memref<!tpu.dma_semaphore, #tpu.memory_space<semaphore_mem>>)
      %dma_start3A_101 = arith.constant 9760 : i32
      %dma_start3A_102 = arith.constant 0 : i32
      %dma_start3A_103 = tpu.memref_slice %arg5[%dma_start3A_101, %dma_start3A_102] : memref<10000x128xf32, #tpu.memory_space<vmem_shared>> -> memref<80x128xf32, #tpu.memory_space<vmem_shared>>
      %dma_start3A_104 = arith.constant 9760 : i32
      %dma_start3A_105 = arith.constant 0 : i32
      %dma_start3A_106 = tpu.memref_slice %arg5[%dma_start3A_104, %dma_start3A_105] : memref<10000x128xf32, #tpu.memory_space<vmem_shared>> -> memref<80x128xf32, #tpu.memory_space<vmem_shared>>
      tpu.enqueue_dma source(%arg9 : memref<80x128xf32, #tpu.memory_space<vmem>>) target(%dma_start3A_106 : memref<80x128xf32, #tpu.memory_space<vmem_shared>>) target_semaphore(%arg14 : memref<!tpu.dma_semaphore, #tpu.memory_space<semaphore_mem>>)
      %dma_start3A_107 = arith.constant 9840 : i32
      %dma_start3A_108 = arith.constant 0 : i32
      %dma_start3A_109 = tpu.memref_slice %arg5[%dma_start3A_107, %dma_start3A_108] : memref<10000x128xf32, #tpu.memory_space<vmem_shared>> -> memref<80x128xf32, #tpu.memory_space<vmem_shared>>
      %dma_start3A_110 = arith.constant 9840 : i32
      %dma_start3A_111 = arith.constant 0 : i32
      %dma_start3A_112 = tpu.memref_slice %arg5[%dma_start3A_110, %dma_start3A_111] : memref<10000x128xf32, #tpu.memory_space<vmem_shared>> -> memref<80x128xf32, #tpu.memory_space<vmem_shared>>
      tpu.enqueue_dma source(%arg9 : memref<80x128xf32, #tpu.memory_space<vmem>>) target(%dma_start3A_112 : memref<80x128xf32, #tpu.memory_space<vmem_shared>>) target_semaphore(%arg14 : memref<!tpu.dma_semaphore, #tpu.memory_space<semaphore_mem>>)
      %dma_start3A_113 = arith.constant 9920 : i32
      %dma_start3A_114 = arith.constant 0 : i32
      %dma_start3A_115 = tpu.memref_slice %arg5[%dma_start3A_113, %dma_start3A_114] : memref<10000x128xf32, #tpu.memory_space<vmem_shared>> -> memref<80x128xf32, #tpu.memory_space<vmem_shared>>
      %dma_start3A_116 = arith.constant 9920 : i32
      %dma_start3A_117 = arith.constant 0 : i32
      %dma_start3A_118 = tpu.memref_slice %arg5[%dma_start3A_116, %dma_start3A_117] : memref<10000x128xf32, #tpu.memory_space<vmem_shared>> -> memref<80x128xf32, #tpu.memory_space<vmem_shared>>
      tpu.enqueue_dma source(%arg9 : memref<80x128xf32, #tpu.memory_space<vmem>>) target(%dma_start3A_118 : memref<80x128xf32, #tpu.memory_space<vmem_shared>>) target_semaphore(%arg14 : memref<!tpu.dma_semaphore, #tpu.memory_space<semaphore_mem>>)
      %dma_wait3A_119 = arith.constant 9600 : i32
      %dma_wait3A_120 = arith.constant 0 : i32
      %dma_wait3A_121 = tpu.memref_slice %arg5[%dma_wait3A_119, %dma_wait3A_120] : memref<10000x128xf32, #tpu.memory_space<vmem_shared>> -> memref<80x128xf32, #tpu.memory_space<vmem_shared>>
      %dma_wait3A_122 = arith.constant 9600 : i32
      %dma_wait3A_123 = arith.constant 0 : i32
      %dma_wait3A_124 = tpu.memref_slice %arg5[%dma_wait3A_122, %dma_wait3A_123] : memref<10000x128xf32, #tpu.memory_space<vmem_shared>> -> memref<80x128xf32, #tpu.memory_space<vmem_shared>>
      tpu.wait_dma2 semaphore(%arg14 : memref<!tpu.dma_semaphore, #tpu.memory_space<semaphore_mem>>) src(%arg9 : memref<80x128xf32, #tpu.memory_space<vmem>>) dst(%dma_wait3A_124 : memref<80x128xf32, #tpu.memory_space<vmem_shared>>)
      %dma_wait3A_125 = arith.constant 9680 : i32
      %dma_wait3A_126 = arith.constant 0 : i32
      %dma_wait3A_127 = tpu.memref_slice %arg5[%dma_wait3A_125, %dma_wait3A_126] : memref<10000x128xf32, #tpu.memory_space<vmem_shared>> -> memref<80x128xf32, #tpu.memory_space<vmem_shared>>
      %dma_wait3A_128 = arith.constant 9680 : i32
      %dma_wait3A_129 = arith.constant 0 : i32
      %dma_wait3A_130 = tpu.memref_slice %arg5[%dma_wait3A_128, %dma_wait3A_129] : memref<10000x128xf32, #tpu.memory_space<vmem_shared>> -> memref<80x128xf32, #tpu.memory_space<vmem_shared>>
      tpu.wait_dma2 semaphore(%arg14 : memref<!tpu.dma_semaphore, #tpu.memory_space<semaphore_mem>>) src(%arg9 : memref<80x128xf32, #tpu.memory_space<vmem>>) dst(%dma_wait3A_130 : memref<80x128xf32, #tpu.memory_space<vmem_shared>>)
      %dma_wait3A_131 = arith.constant 9760 : i32
      %dma_wait3A_132 = arith.constant 0 : i32
      %dma_wait3A_133 = tpu.memref_slice %arg5[%dma_wait3A_131, %dma_wait3A_132] : memref<10000x128xf32, #tpu.memory_space<vmem_shared>> -> memref<80x128xf32, #tpu.memory_space<vmem_shared>>
      %dma_wait3A_134 = arith.constant 9760 : i32
      %dma_wait3A_135 = arith.constant 0 : i32
      %dma_wait3A_136 = tpu.memref_slice %arg5[%dma_wait3A_134, %dma_wait3A_135] : memref<10000x128xf32, #tpu.memory_space<vmem_shared>> -> memref<80x128xf32, #tpu.memory_space<vmem_shared>>
      tpu.wait_dma2 semaphore(%arg14 : memref<!tpu.dma_semaphore, #tpu.memory_space<semaphore_mem>>) src(%arg9 : memref<80x128xf32, #tpu.memory_space<vmem>>) dst(%dma_wait3A_136 : memref<80x128xf32, #tpu.memory_space<vmem_shared>>)
      %dma_wait3A_137 = arith.constant 9840 : i32
      %dma_wait3A_138 = arith.constant 0 : i32
      %dma_wait3A_139 = tpu.memref_slice %arg5[%dma_wait3A_137, %dma_wait3A_138] : memref<10000x128xf32, #tpu.memory_space<vmem_shared>> -> memref<80x128xf32, #tpu.memory_space<vmem_shared>>
      %dma_wait3A_140 = arith.constant 9840 : i32
      %dma_wait3A_141 = arith.constant 0 : i32
      %dma_wait3A_142 = tpu.memref_slice %arg5[%dma_wait3A_140, %dma_wait3A_141] : memref<10000x128xf32, #tpu.memory_space<vmem_shared>> -> memref<80x128xf32, #tpu.memory_space<vmem_shared>>
      tpu.wait_dma2 semaphore(%arg14 : memref<!tpu.dma_semaphore, #tpu.memory_space<semaphore_mem>>) src(%arg9 : memref<80x128xf32, #tpu.memory_space<vmem>>) dst(%dma_wait3A_142 : memref<80x128xf32, #tpu.memory_space<vmem_shared>>)
      %dma_wait3A_143 = arith.constant 9920 : i32
      %dma_wait3A_144 = arith.constant 0 : i32
      %dma_wait3A_145 = tpu.memref_slice %arg5[%dma_wait3A_143, %dma_wait3A_144] : memref<10000x128xf32, #tpu.memory_space<vmem_shared>> -> memref<80x128xf32, #tpu.memory_space<vmem_shared>>
      %dma_wait3A_146 = arith.constant 9920 : i32
      %dma_wait3A_147 = arith.constant 0 : i32
      %dma_wait3A_148 = tpu.memref_slice %arg5[%dma_wait3A_146, %dma_wait3A_147] : memref<10000x128xf32, #tpu.memory_space<vmem_shared>> -> memref<80x128xf32, #tpu.memory_space<vmem_shared>>
      tpu.wait_dma2 semaphore(%arg14 : memref<!tpu.dma_semaphore, #tpu.memory_space<semaphore_mem>>) src(%arg9 : memref<80x128xf32, #tpu.memory_space<vmem>>) dst(%dma_wait3A_148 : memref<80x128xf32, #tpu.memory_space<vmem_shared>>)
    } else {
    }
    %dma_wait3A = arith.constant 0 : i32
    %dma_wait3A_40 = arith.constant 0 : i32
    %dma_wait3A_41 = arith.constant 0 : i32
    %dma_wait3A_42 = tpu.memref_slice %arg3[%dma_wait3A, %dma_wait3A_40, %dma_wait3A_41] : memref<2x16x10000xi32, #tpu.memory_space<hbm>> -> memref<1x16x10000xi32, #tpu.memory_space<hbm>>
    %dma_wait3A_43 = tpu.memref_squeeze %dma_wait3A_42 : memref<1x16x10000xi32, #tpu.memory_space<hbm>> -> memref<16x10000xi32, #tpu.memory_space<hbm>>
    %dma_wait3A_44 = arith.constant 0 : i32
    %dma_wait3A_45 = tpu.memref_slice %dma_wait3A_43[%arg1, %dma_wait3A_44] : memref<16x10000xi32, #tpu.memory_space<hbm>> -> memref<1x10000xi32, #tpu.memory_space<hbm>>
    %dma_wait3A_46 = tpu.memref_squeeze %dma_wait3A_45 : memref<1x10000xi32, #tpu.memory_space<hbm>> -> memref<10000xi32, #tpu.memory_space<hbm>>
    %dma_wait3A_47 = arith.constant 0 : i32
    %dma_wait3A_48 = arith.constant 0 : i32
    %dma_wait3A_49 = tpu.memref_slice %arg3[%dma_wait3A, %dma_wait3A_47, %dma_wait3A_48] : memref<2x16x10000xi32, #tpu.memory_space<hbm>> -> memref<1x16x10000xi32, #tpu.memory_space<hbm>>
    %dma_wait3A_50 = tpu.memref_squeeze %dma_wait3A_49 : memref<1x16x10000xi32, #tpu.memory_space<hbm>> -> memref<16x10000xi32, #tpu.memory_space<hbm>>
    %dma_wait3A_51 = arith.constant 0 : i32
    %dma_wait3A_52 = tpu.memref_slice %dma_wait3A_50[%arg1, %dma_wait3A_51] : memref<16x10000xi32, #tpu.memory_space<hbm>> -> memref<1x10000xi32, #tpu.memory_space<hbm>>
    %dma_wait3A_53 = tpu.memref_squeeze %dma_wait3A_52 : memref<1x10000xi32, #tpu.memory_space<hbm>> -> memref<10000xi32, #tpu.memory_space<hbm>>
    tpu.wait_dma2 semaphore(%arg12 : memref<!tpu.dma_semaphore, #tpu.memory_space<semaphore_mem>>) src(%dma_wait3A_53 : memref<10000xi32, #tpu.memory_space<hbm>>) dst(%arg6 : memref<10000xi32, #tpu.memory_space<vmem>>)
    %dma_wait3A_54 = arith.constant 1 : i32
    %dma_wait3A_55 = arith.constant 0 : i32
    %dma_wait3A_56 = arith.constant 0 : i32
    %dma_wait3A_57 = tpu.memref_slice %arg3[%dma_wait3A_54, %dma_wait3A_55, %dma_wait3A_56] : memref<2x16x10000xi32, #tpu.memory_space<hbm>> -> memref<1x16x10000xi32, #tpu.memory_space<hbm>>
    %dma_wait3A_58 = tpu.memref_squeeze %dma_wait3A_57 : memref<1x16x10000xi32, #tpu.memory_space<hbm>> -> memref<16x10000xi32, #tpu.memory_space<hbm>>
    %dma_wait3A_59 = arith.constant 0 : i32
    %dma_wait3A_60 = tpu.memref_slice %dma_wait3A_58[%arg1, %dma_wait3A_59] : memref<16x10000xi32, #tpu.memory_space<hbm>> -> memref<1x10000xi32, #tpu.memory_space<hbm>>
    %dma_wait3A_61 = tpu.memref_squeeze %dma_wait3A_60 : memref<1x10000xi32, #tpu.memory_space<hbm>> -> memref<10000xi32, #tpu.memory_space<hbm>>
    %dma_wait3A_62 = arith.constant 0 : i32
    %dma_wait3A_63 = arith.constant 0 : i32
    %dma_wait3A_64 = tpu.memref_slice %arg3[%dma_wait3A_54, %dma_wait3A_62, %dma_wait3A_63] : memref<2x16x10000xi32, #tpu.memory_space<hbm>> -> memref<1x16x10000xi32, #tpu.memory_space<hbm>>
    %dma_wait3A_65 = tpu.memref_squeeze %dma_wait3A_64 : memref<1x16x10000xi32, #tpu.memory_space<hbm>> -> memref<16x10000xi32, #tpu.memory_space<hbm>>
    %dma_wait3A_66 = arith.constant 0 : i32
    %dma_wait3A_67 = tpu.memref_slice %dma_wait3A_65[%arg1, %dma_wait3A_66] : memref<16x10000xi32, #tpu.memory_space<hbm>> -> memref<1x10000xi32, #tpu.memory_space<hbm>>
    %dma_wait3A_68 = tpu.memref_squeeze %dma_wait3A_67 : memref<1x10000xi32, #tpu.memory_space<hbm>> -> memref<10000xi32, #tpu.memory_space<hbm>>
    tpu.wait_dma2 semaphore(%arg13 : memref<!tpu.dma_semaphore, #tpu.memory_space<semaphore_mem>>) src(%dma_wait3A_68 : memref<10000xi32, #tpu.memory_space<hbm>>) dst(%arg7 : memref<10000xi32, #tpu.memory_space<vmem>>)
    %eq3A_69 = arith.constant 0 : i32
    %eq3A_70 = arith.cmpi eq, %arg0, %eq3A_69 : i32
    %convert_element_type3A_71 = arith.extui %eq3A_70 : i1 to i32
    %cond3A_72 = arith.constant 0 : i32
    %cond3A_73 = arith.cmpi ne, %convert_element_type3A_71, %cond3A_72 : i32
    scf.if %cond3A_73 {
      %dma_start3A_89 = arith.constant 0 : i32
      %dma_start3A_90 = arith.constant 0 : i32
      %dma_start3A_91 = tpu.memref_slice %arg6[%dma_start3A_90] : memref<10000xi32, #tpu.memory_space<vmem>> -> memref<80xi32, #tpu.memory_space<vmem>>
      %dma_start3A_92 = arith.constant 0 : i32
      %dma_start3A_93 = arith.constant 0 : i32
      %dma_start3A_94 = tpu.memref_slice %arg2[%dma_start3A_89, %dma_start3A_92, %dma_start3A_93] : memref<2x10000x128xf32, #tpu.memory_space<hbm>> -> memref<1x10000x128xf32, #tpu.memory_space<hbm>>
      %dma_start3A_95 = tpu.memref_squeeze %dma_start3A_94 : memref<1x10000x128xf32, #tpu.memory_space<hbm>> -> memref<10000x128xf32, #tpu.memory_space<hbm>>
      %dma_start3A_96 = arith.constant 0 : i32
      %dma_start3A_97 = arith.constant 0 : i32
      %dma_start3A_98 = tpu.memref_slice %dma_start3A_95[%dma_start3A_96, %dma_start3A_97] : memref<10000x128xf32, #tpu.memory_space<hbm>> -> memref<10000x128xf32, #tpu.memory_space<hbm>>
      tpu.enqueue_indirect_dma source(%dma_start3A_98 : memref<10000x128xf32, #tpu.memory_space<hbm>>) target(%arg9 : memref<80x128xf32, #tpu.memory_space<vmem>>) offsets(%dma_start3A_91 : memref<80xi32, #tpu.memory_space<vmem>>) semaphore(%arg12 : memref<!tpu.dma_semaphore, #tpu.memory_space<semaphore_mem>>)
      %dma_start3A_99 = arith.constant 0 : i32
      %dma_start3A_100 = arith.constant 80 : i32
      %dma_start3A_101 = tpu.memref_slice %arg6[%dma_start3A_100] : memref<10000xi32, #tpu.memory_space<vmem>> -> memref<80xi32, #tpu.memory_space<vmem>>
      %dma_start3A_102 = arith.constant 0 : i32
      %dma_start3A_103 = arith.constant 0 : i32
      %dma_start3A_104 = tpu.memref_slice %arg2[%dma_start3A_99, %dma_start3A_102, %dma_start3A_103] : memref<2x10000x128xf32, #tpu.memory_space<hbm>> -> memref<1x10000x128xf32, #tpu.memory_space<hbm>>
      %dma_start3A_105 = tpu.memref_squeeze %dma_start3A_104 : memref<1x10000x128xf32, #tpu.memory_space<hbm>> -> memref<10000x128xf32, #tpu.memory_space<hbm>>
      %dma_start3A_106 = arith.constant 0 : i32
      %dma_start3A_107 = arith.constant 0 : i32
      %dma_start3A_108 = tpu.memref_slice %dma_start3A_105[%dma_start3A_106, %dma_start3A_107] : memref<10000x128xf32, #tpu.memory_space<hbm>> -> memref<10000x128xf32, #tpu.memory_space<hbm>>
      tpu.enqueue_indirect_dma source(%dma_start3A_108 : memref<10000x128xf32, #tpu.memory_space<hbm>>) target(%arg10 : memref<80x128xf32, #tpu.memory_space<vmem>>) offsets(%dma_start3A_101 : memref<80xi32, #tpu.memory_space<vmem>>) semaphore(%arg13 : memref<!tpu.dma_semaphore, #tpu.memory_space<semaphore_mem>>)
      %barrier3A_109 = arith.constant 0 : index
      tpu.barrier barrier_id(%barrier3A_109)
      %scan3A_110 = arith.constant 0 : i32
      %scan3A_111 = arith.constant 0 : i32
      %scan3A_112 = arith.constant 41 : i32
      %scan3A_113 = arith.addi %scan3A_111, %scan3A_112 : i32
      %scan3A_114 = arith.constant 1 : i32
      scf.for %scan3A_204 = %scan3A_111 to %scan3A_113 step %scan3A_114  : i32 {
        %mul3A = arith.constant 1 : i32
        %mul3A_205 = arith.muli %scan3A_204, %mul3A : i32
        %add3A = arith.constant 0 : i32
        %add3A_206 = arith.addi %add3A, %mul3A_205 : i32
        %mul3A_207 = arith.constant 3 : i32
        %mul3A_208 = arith.muli %mul3A_207, %add3A_206 : i32
        %dma_wait3A_209 = arith.constant 0 : i32
        %dma_wait3A_210 = tpu.memref_slice %arg6[%dma_wait3A_209] : memref<10000xi32, #tpu.memory_space<vmem>> -> memref<80xi32, #tpu.memory_space<vmem>>
        %dma_wait3A_211 = arith.constant 0 : i32
        %dma_wait3A_212 = arith.constant 0 : i32
        %dma_wait3A_213 = tpu.memref_slice %arg2[%scan3A_110, %dma_wait3A_211, %dma_wait3A_212] : memref<2x10000x128xf32, #tpu.memory_space<hbm>> -> memref<1x10000x128xf32, #tpu.memory_space<hbm>>
        %dma_wait3A_214 = tpu.memref_squeeze %dma_wait3A_213 : memref<1x10000x128xf32, #tpu.memory_space<hbm>> -> memref<10000x128xf32, #tpu.memory_space<hbm>>
        %dma_wait3A_215 = arith.constant 0 : i32
        %dma_wait3A_216 = arith.constant 0 : i32
        %dma_wait3A_217 = tpu.memref_slice %dma_wait3A_214[%dma_wait3A_215, %dma_wait3A_216] : memref<10000x128xf32, #tpu.memory_space<hbm>> -> memref<10000x128xf32, #tpu.memory_space<hbm>>
        tpu.wait_indirect_dma semaphore(%arg12 : memref<!tpu.dma_semaphore, #tpu.memory_space<semaphore_mem>>) src(%dma_wait3A_217 : memref<10000x128xf32, #tpu.memory_space<hbm>>) dst(%arg9 : memref<80x128xf32, #tpu.memory_space<vmem>>)
        %add3A_218 = arith.constant 2 : i32
        %add3A_219 = arith.addi %mul3A_208, %add3A_218 : i32
        %mul3A_220 = arith.constant 80 : i32
        %mul3A_221 = arith.muli %add3A_219, %mul3A_220 : i32
        %dma_start3A_222 = tpu.memref_slice %arg6[%mul3A_221] : memref<10000xi32, #tpu.memory_space<vmem>> -> memref<80xi32, #tpu.memory_space<vmem>>
        %dma_start3A_223 = arith.constant 0 : i32
        %dma_start3A_224 = arith.constant 0 : i32
        %dma_start3A_225 = tpu.memref_slice %arg2[%scan3A_110, %dma_start3A_223, %dma_start3A_224] : memref<2x10000x128xf32, #tpu.memory_space<hbm>> -> memref<1x10000x128xf32, #tpu.memory_space<hbm>>
        %dma_start3A_226 = tpu.memref_squeeze %dma_start3A_225 : memref<1x10000x128xf32, #tpu.memory_space<hbm>> -> memref<10000x128xf32, #tpu.memory_space<hbm>>
        %dma_start3A_227 = arith.constant 0 : i32
        %dma_start3A_228 = arith.constant 0 : i32
        %dma_start3A_229 = tpu.memref_slice %dma_start3A_226[%dma_start3A_227, %dma_start3A_228] : memref<10000x128xf32, #tpu.memory_space<hbm>> -> memref<10000x128xf32, #tpu.memory_space<hbm>>
        tpu.enqueue_indirect_dma source(%dma_start3A_229 : memref<10000x128xf32, #tpu.memory_space<hbm>>) target(%arg11 : memref<80x128xf32, #tpu.memory_space<vmem>>) offsets(%dma_start3A_222 : memref<80xi32, #tpu.memory_space<vmem>>) semaphore(%arg14 : memref<!tpu.dma_semaphore, #tpu.memory_space<semaphore_mem>>)
        %mul3A_230 = arith.constant 80 : i32
        %mul3A_231 = arith.muli %mul3A_208, %mul3A_230 : i32
        %add3A_232 = arith.constant 0 : i32
        %add3A_233 = arith.addi %mul3A_231, %add3A_232 : i32
        %get3A_234 = arith.index_cast %add3A_233 : i32 to index
        %get3A_235 = tpu.vector_load %arg7[%get3A_234] {strides = array<i32>} : memref<10000xi32, #tpu.memory_space<vmem>>, vector<16xi32>,
        %get3A_236 = vector.shape_cast %get3A_235 : vector<16xi32> to vector<16xi32>
        %swap3A_237 = arith.constant 0 : index
        %swap3A_238 = tpu.vector_load %arg8[%swap3A_237] {strides = array<i32>} : memref<80xi32, #tpu.memory_space<vmem>>, vector<16xi32>,
        %swap3A_239 = vector.shape_cast %swap3A_238 : vector<16xi32> to vector<16xi32>
        %swap3A_240 = vector.shape_cast %get3A_236 : vector<16xi32> to vector<16xi32>
        tpu.vector_store %arg8[%swap3A_237], %swap3A_240 {strides = array<i32>} : memref<80xi32, #tpu.memory_space<vmem>>, vector<16xi32>,
        %mul3A_241 = arith.constant 80 : i32
        %mul3A_242 = arith.muli %mul3A_208, %mul3A_241 : i32
        %add3A_243 = arith.constant 16 : i32
        %add3A_244 = arith.addi %mul3A_242, %add3A_243 : i32
        %get3A_245 = arith.index_cast %add3A_244 : i32 to index
        %get3A_246 = tpu.vector_load %arg7[%get3A_245] {strides = array<i32>} : memref<10000xi32, #tpu.memory_space<vmem>>, vector<16xi32>,
        %get3A_247 = vector.shape_cast %get3A_246 : vector<16xi32> to vector<16xi32>
        %swap3A_248 = arith.constant 16 : index
        %swap3A_249 = tpu.vector_load %arg8[%swap3A_248] {strides = array<i32>} : memref<80xi32, #tpu.memory_space<vmem>>, vector<16xi32>,
        %swap3A_250 = vector.shape_cast %swap3A_249 : vector<16xi32> to vector<16xi32>
        %swap3A_251 = vector.shape_cast %get3A_247 : vector<16xi32> to vector<16xi32>
        tpu.vector_store %arg8[%swap3A_248], %swap3A_251 {strides = array<i32>} : memref<80xi32, #tpu.memory_space<vmem>>, vector<16xi32>,
        %mul3A_252 = arith.constant 80 : i32
        %mul3A_253 = arith.muli %mul3A_208, %mul3A_252 : i32
        %add3A_254 = arith.constant 32 : i32
        %add3A_255 = arith.addi %mul3A_253, %add3A_254 : i32
        %get3A_256 = arith.index_cast %add3A_255 : i32 to index
        %get3A_257 = tpu.vector_load %arg7[%get3A_256] {strides = array<i32>} : memref<10000xi32, #tpu.memory_space<vmem>>, vector<16xi32>,
        %get3A_258 = vector.shape_cast %get3A_257 : vector<16xi32> to vector<16xi32>
        %swap3A_259 = arith.constant 32 : index
        %swap3A_260 = tpu.vector_load %arg8[%swap3A_259] {strides = array<i32>} : memref<80xi32, #tpu.memory_space<vmem>>, vector<16xi32>,
        %swap3A_261 = vector.shape_cast %swap3A_260 : vector<16xi32> to vector<16xi32>
        %swap3A_262 = vector.shape_cast %get3A_258 : vector<16xi32> to vector<16xi32>
        tpu.vector_store %arg8[%swap3A_259], %swap3A_262 {strides = array<i32>} : memref<80xi32, #tpu.memory_space<vmem>>, vector<16xi32>,
        %mul3A_263 = arith.constant 80 : i32
        %mul3A_264 = arith.muli %mul3A_208, %mul3A_263 : i32
        %add3A_265 = arith.constant 48 : i32
        %add3A_266 = arith.addi %mul3A_264, %add3A_265 : i32
        %get3A_267 = arith.index_cast %add3A_266 : i32 to index
        %get3A_268 = tpu.vector_load %arg7[%get3A_267] {strides = array<i32>} : memref<10000xi32, #tpu.memory_space<vmem>>, vector<16xi32>,
        %get3A_269 = vector.shape_cast %get3A_268 : vector<16xi32> to vector<16xi32>
        %swap3A_270 = arith.constant 48 : index
        %swap3A_271 = tpu.vector_load %arg8[%swap3A_270] {strides = array<i32>} : memref<80xi32, #tpu.memory_space<vmem>>, vector<16xi32>,
        %swap3A_272 = vector.shape_cast %swap3A_271 : vector<16xi32> to vector<16xi32>
        %swap3A_273 = vector.shape_cast %get3A_269 : vector<16xi32> to vector<16xi32>
        tpu.vector_store %arg8[%swap3A_270], %swap3A_273 {strides = array<i32>} : memref<80xi32, #tpu.memory_space<vmem>>, vector<16xi32>,
        %mul3A_274 = arith.constant 80 : i32
        %mul3A_275 = arith.muli %mul3A_208, %mul3A_274 : i32
        %add3A_276 = arith.constant 64 : i32
        %add3A_277 = arith.addi %mul3A_275, %add3A_276 : i32
        %get3A_278 = arith.index_cast %add3A_277 : i32 to index
        %get3A_279 = tpu.vector_load %arg7[%get3A_278] {strides = array<i32>} : memref<10000xi32, #tpu.memory_space<vmem>>, vector<16xi32>,
        %get3A_280 = vector.shape_cast %get3A_279 : vector<16xi32> to vector<16xi32>
        %swap3A_281 = arith.constant 64 : index
        %swap3A_282 = tpu.vector_load %arg8[%swap3A_281] {strides = array<i32>} : memref<80xi32, #tpu.memory_space<vmem>>, vector<16xi32>,
        %swap3A_283 = vector.shape_cast %swap3A_282 : vector<16xi32> to vector<16xi32>
        %swap3A_284 = vector.shape_cast %get3A_280 : vector<16xi32> to vector<16xi32>
        tpu.vector_store %arg8[%swap3A_281], %swap3A_284 {strides = array<i32>} : memref<80xi32, #tpu.memory_space<vmem>>, vector<16xi32>,
        "tpu.region"() ({
          %run_scoped3A = tpu.sem_alloc : memref<!tpu.dma_semaphore, #tpu.memory_space<semaphore_mem>>
          %dma_start3A_441 = arith.constant 0 : i32
          %dma_start3A_442 = arith.constant 0 : i32
          %dma_start3A_443 = tpu.memref_slice %arg5[%dma_start3A_441, %dma_start3A_442] : memref<10000x128xf32, #tpu.memory_space<vmem_shared>> -> memref<10000x128xf32, #tpu.memory_space<vmem_shared>>
          tpu.enqueue_indirect_dma source(%arg9 : memref<80x128xf32, #tpu.memory_space<vmem>>) target(%dma_start3A_443 : memref<10000x128xf32, #tpu.memory_space<vmem_shared>>) offsets(%arg8 : memref<80xi32, #tpu.memory_space<vmem>>) semaphore(%run_scoped3A : memref<!tpu.dma_semaphore, #tpu.memory_space<semaphore_mem>>) {add = true}
          %dma_wait3A_444 = arith.constant 0 : i32
          %dma_wait3A_445 = arith.constant 0 : i32
          %dma_wait3A_446 = tpu.memref_slice %arg5[%dma_wait3A_444, %dma_wait3A_445] : memref<10000x128xf32, #tpu.memory_space<vmem_shared>> -> memref<10000x128xf32, #tpu.memory_space<vmem_shared>>
          tpu.wait_indirect_dma semaphore(%run_scoped3A : memref<!tpu.dma_semaphore, #tpu.memory_space<semaphore_mem>>) src(%arg9 : memref<80x128xf32, #tpu.memory_space<vmem>>) dst(%dma_wait3A_446 : memref<10000x128xf32, #tpu.memory_space<vmem_shared>>)
          tpu.yield
        }) : () -> ()
        %dma_wait3A_285 = arith.constant 0 : i32
        %dma_wait3A_286 = tpu.memref_slice %arg6[%dma_wait3A_285] : memref<10000xi32, #tpu.memory_space<vmem>> -> memref<80xi32, #tpu.memory_space<vmem>>
        %dma_wait3A_287 = arith.constant 0 : i32
        %dma_wait3A_288 = arith.constant 0 : i32
        %dma_wait3A_289 = tpu.memref_slice %arg2[%scan3A_110, %dma_wait3A_287, %dma_wait3A_288] : memref<2x10000x128xf32, #tpu.memory_space<hbm>> -> memref<1x10000x128xf32, #tpu.memory_space<hbm>>
        %dma_wait3A_290 = tpu.memref_squeeze %dma_wait3A_289 : memref<1x10000x128xf32, #tpu.memory_space<hbm>> -> memref<10000x128xf32, #tpu.memory_space<hbm>>
        %dma_wait3A_291 = arith.constant 0 : i32
        %dma_wait3A_292 = arith.constant 0 : i32
        %dma_wait3A_293 = tpu.memref_slice %dma_wait3A_290[%dma_wait3A_291, %dma_wait3A_292] : memref<10000x128xf32, #tpu.memory_space<hbm>> -> memref<10000x128xf32, #tpu.memory_space<hbm>>
        tpu.wait_indirect_dma semaphore(%arg13 : memref<!tpu.dma_semaphore, #tpu.memory_space<semaphore_mem>>) src(%dma_wait3A_293 : memref<10000x128xf32, #tpu.memory_space<hbm>>) dst(%arg10 : memref<80x128xf32, #tpu.memory_space<vmem>>)
        %add3A_294 = arith.constant 3 : i32
        %add3A_295 = arith.addi %mul3A_208, %add3A_294 : i32
        %mul3A_296 = arith.constant 80 : i32
        %mul3A_297 = arith.muli %add3A_295, %mul3A_296 : i32
        %dma_start3A_298 = tpu.memref_slice %arg6[%mul3A_297] : memref<10000xi32, #tpu.memory_space<vmem>> -> memref<80xi32, #tpu.memory_space<vmem>>
        %dma_start3A_299 = arith.constant 0 : i32
        %dma_start3A_300 = arith.constant 0 : i32
        %dma_start3A_301 = tpu.memref_slice %arg2[%scan3A_110, %dma_start3A_299, %dma_start3A_300] : memref<2x10000x128xf32, #tpu.memory_space<hbm>> -> memref<1x10000x128xf32, #tpu.memory_space<hbm>>
        %dma_start3A_302 = tpu.memref_squeeze %dma_start3A_301 : memref<1x10000x128xf32, #tpu.memory_space<hbm>> -> memref<10000x128xf32, #tpu.memory_space<hbm>>
        %dma_start3A_303 = arith.constant 0 : i32
        %dma_start3A_304 = arith.constant 0 : i32
        %dma_start3A_305 = tpu.memref_slice %dma_start3A_302[%dma_start3A_303, %dma_start3A_304] : memref<10000x128xf32, #tpu.memory_space<hbm>> -> memref<10000x128xf32, #tpu.memory_space<hbm>>
        tpu.enqueue_indirect_dma source(%dma_start3A_305 : memref<10000x128xf32, #tpu.memory_space<hbm>>) target(%arg9 : memref<80x128xf32, #tpu.memory_space<vmem>>) offsets(%dma_start3A_298 : memref<80xi32, #tpu.memory_space<vmem>>) semaphore(%arg12 : memref<!tpu.dma_semaphore, #tpu.memory_space<semaphore_mem>>)
        %add3A_306 = arith.constant 1 : i32
        %add3A_307 = arith.addi %mul3A_208, %add3A_306 : i32
        %mul3A_308 = arith.constant 80 : i32
        %mul3A_309 = arith.muli %add3A_307, %mul3A_308 : i32
        %add3A_310 = arith.constant 0 : i32
        %add3A_311 = arith.addi %mul3A_309, %add3A_310 : i32
        %get3A_312 = arith.index_cast %add3A_311 : i32 to index
        %get3A_313 = tpu.vector_load %arg7[%get3A_312] {strides = array<i32>} : memref<10000xi32, #tpu.memory_space<vmem>>, vector<16xi32>,
        %get3A_314 = vector.shape_cast %get3A_313 : vector<16xi32> to vector<16xi32>
        %swap3A_315 = arith.constant 0 : index
        %swap3A_316 = tpu.vector_load %arg8[%swap3A_315] {strides = array<i32>} : memref<80xi32, #tpu.memory_space<vmem>>, vector<16xi32>,
        %swap3A_317 = vector.shape_cast %swap3A_316 : vector<16xi32> to vector<16xi32>
        %swap3A_318 = vector.shape_cast %get3A_314 : vector<16xi32> to vector<16xi32>
        tpu.vector_store %arg8[%swap3A_315], %swap3A_318 {strides = array<i32>} : memref<80xi32, #tpu.memory_space<vmem>>, vector<16xi32>,
        %mul3A_319 = arith.constant 80 : i32
        %mul3A_320 = arith.muli %add3A_307, %mul3A_319 : i32
        %add3A_321 = arith.constant 16 : i32
        %add3A_322 = arith.addi %mul3A_320, %add3A_321 : i32
        %get3A_323 = arith.index_cast %add3A_322 : i32 to index
        %get3A_324 = tpu.vector_load %arg7[%get3A_323] {strides = array<i32>} : memref<10000xi32, #tpu.memory_space<vmem>>, vector<16xi32>,
        %get3A_325 = vector.shape_cast %get3A_324 : vector<16xi32> to vector<16xi32>
        %swap3A_326 = arith.constant 16 : index
        %swap3A_327 = tpu.vector_load %arg8[%swap3A_326] {strides = array<i32>} : memref<80xi32, #tpu.memory_space<vmem>>, vector<16xi32>,
        %swap3A_328 = vector.shape_cast %swap3A_327 : vector<16xi32> to vector<16xi32>
        %swap3A_329 = vector.shape_cast %get3A_325 : vector<16xi32> to vector<16xi32>
        tpu.vector_store %arg8[%swap3A_326], %swap3A_329 {strides = array<i32>} : memref<80xi32, #tpu.memory_space<vmem>>, vector<16xi32>,
        %mul3A_330 = arith.constant 80 : i32
        %mul3A_331 = arith.muli %add3A_307, %mul3A_330 : i32
        %add3A_332 = arith.constant 32 : i32
        %add3A_333 = arith.addi %mul3A_331, %add3A_332 : i32
        %get3A_334 = arith.index_cast %add3A_333 : i32 to index
        %get3A_335 = tpu.vector_load %arg7[%get3A_334] {strides = array<i32>} : memref<10000xi32, #tpu.memory_space<vmem>>, vector<16xi32>,
        %get3A_336 = vector.shape_cast %get3A_335 : vector<16xi32> to vector<16xi32>
        %swap3A_337 = arith.constant 32 : index
        %swap3A_338 = tpu.vector_load %arg8[%swap3A_337] {strides = array<i32>} : memref<80xi32, #tpu.memory_space<vmem>>, vector<16xi32>,
        %swap3A_339 = vector.shape_cast %swap3A_338 : vector<16xi32> to vector<16xi32>
        %swap3A_340 = vector.shape_cast %get3A_336 : vector<16xi32> to vector<16xi32>
        tpu.vector_store %arg8[%swap3A_337], %swap3A_340 {strides = array<i32>} : memref<80xi32, #tpu.memory_space<vmem>>, vector<16xi32>,
        %mul3A_341 = arith.constant 80 : i32
        %mul3A_342 = arith.muli %add3A_307, %mul3A_341 : i32
        %add3A_343 = arith.constant 48 : i32
        %add3A_344 = arith.addi %mul3A_342, %add3A_343 : i32
        %get3A_345 = arith.index_cast %add3A_344 : i32 to index
        %get3A_346 = tpu.vector_load %arg7[%get3A_345] {strides = array<i32>} : memref<10000xi32, #tpu.memory_space<vmem>>, vector<16xi32>,
        %get3A_347 = vector.shape_cast %get3A_346 : vector<16xi32> to vector<16xi32>
        %swap3A_348 = arith.constant 48 : index
        %swap3A_349 = tpu.vector_load %arg8[%swap3A_348] {strides = array<i32>} : memref<80xi32, #tpu.memory_space<vmem>>, vector<16xi32>,
        %swap3A_350 = vector.shape_cast %swap3A_349 : vector<16xi32> to vector<16xi32>
        %swap3A_351 = vector.shape_cast %get3A_347 : vector<16xi32> to vector<16xi32>
        tpu.vector_store %arg8[%swap3A_348], %swap3A_351 {strides = array<i32>} : memref<80xi32, #tpu.memory_space<vmem>>, vector<16xi32>,
        %mul3A_352 = arith.constant 80 : i32
        %mul3A_353 = arith.muli %add3A_307, %mul3A_352 : i32
        %add3A_354 = arith.constant 64 : i32
        %add3A_355 = arith.addi %mul3A_353, %add3A_354 : i32
        %get3A_356 = arith.index_cast %add3A_355 : i32 to index
        %get3A_357 = tpu.vector_load %arg7[%get3A_356] {strides = array<i32>} : memref<10000xi32, #tpu.memory_space<vmem>>, vector<16xi32>,
        %get3A_358 = vector.shape_cast %get3A_357 : vector<16xi32> to vector<16xi32>
        %swap3A_359 = arith.constant 64 : index
        %swap3A_360 = tpu.vector_load %arg8[%swap3A_359] {strides = array<i32>} : memref<80xi32, #tpu.memory_space<vmem>>, vector<16xi32>,
        %swap3A_361 = vector.shape_cast %swap3A_360 : vector<16xi32> to vector<16xi32>
        %swap3A_362 = vector.shape_cast %get3A_358 : vector<16xi32> to vector<16xi32>
        tpu.vector_store %arg8[%swap3A_359], %swap3A_362 {strides = array<i32>} : memref<80xi32, #tpu.memory_space<vmem>>, vector<16xi32>,
        "tpu.region"() ({
          %run_scoped3A = tpu.sem_alloc : memref<!tpu.dma_semaphore, #tpu.memory_space<semaphore_mem>>
          %dma_start3A_441 = arith.constant 0 : i32
          %dma_start3A_442 = arith.constant 0 : i32
          %dma_start3A_443 = tpu.memref_slice %arg5[%dma_start3A_441, %dma_start3A_442] : memref<10000x128xf32, #tpu.memory_space<vmem_shared>> -> memref<10000x128xf32, #tpu.memory_space<vmem_shared>>
          tpu.enqueue_indirect_dma source(%arg10 : memref<80x128xf32, #tpu.memory_space<vmem>>) target(%dma_start3A_443 : memref<10000x128xf32, #tpu.memory_space<vmem_shared>>) offsets(%arg8 : memref<80xi32, #tpu.memory_space<vmem>>) semaphore(%run_scoped3A : memref<!tpu.dma_semaphore, #tpu.memory_space<semaphore_mem>>) {add = true}
          %dma_wait3A_444 = arith.constant 0 : i32
          %dma_wait3A_445 = arith.constant 0 : i32
          %dma_wait3A_446 = tpu.memref_slice %arg5[%dma_wait3A_444, %dma_wait3A_445] : memref<10000x128xf32, #tpu.memory_space<vmem_shared>> -> memref<10000x128xf32, #tpu.memory_space<vmem_shared>>
          tpu.wait_indirect_dma semaphore(%run_scoped3A : memref<!tpu.dma_semaphore, #tpu.memory_space<semaphore_mem>>) src(%arg10 : memref<80x128xf32, #tpu.memory_space<vmem>>) dst(%dma_wait3A_446 : memref<10000x128xf32, #tpu.memory_space<vmem_shared>>)
          tpu.yield
        }) : () -> ()
        %dma_wait3A_363 = arith.constant 0 : i32
        %dma_wait3A_364 = tpu.memref_slice %arg6[%dma_wait3A_363] : memref<10000xi32, #tpu.memory_space<vmem>> -> memref<80xi32, #tpu.memory_space<vmem>>
        %dma_wait3A_365 = arith.constant 0 : i32
        %dma_wait3A_366 = arith.constant 0 : i32
        %dma_wait3A_367 = tpu.memref_slice %arg2[%scan3A_110, %dma_wait3A_365, %dma_wait3A_366] : memref<2x10000x128xf32, #tpu.memory_space<hbm>> -> memref<1x10000x128xf32, #tpu.memory_space<hbm>>
        %dma_wait3A_368 = tpu.memref_squeeze %dma_wait3A_367 : memref<1x10000x128xf32, #tpu.memory_space<hbm>> -> memref<10000x128xf32, #tpu.memory_space<hbm>>
        %dma_wait3A_369 = arith.constant 0 : i32
        %dma_wait3A_370 = arith.constant 0 : i32
        %dma_wait3A_371 = tpu.memref_slice %dma_wait3A_368[%dma_wait3A_369, %dma_wait3A_370] : memref<10000x128xf32, #tpu.memory_space<hbm>> -> memref<10000x128xf32, #tpu.memory_space<hbm>>
        tpu.wait_indirect_dma semaphore(%arg14 : memref<!tpu.dma_semaphore, #tpu.memory_space<semaphore_mem>>) src(%dma_wait3A_371 : memref<10000x128xf32, #tpu.memory_space<hbm>>) dst(%arg11 : memref<80x128xf32, #tpu.memory_space<vmem>>)
        %add3A_372 = arith.constant 4 : i32
        %add3A_373 = arith.addi %mul3A_208, %add3A_372 : i32
        %mul3A_374 = arith.constant 80 : i32
        %mul3A_375 = arith.muli %add3A_373, %mul3A_374 : i32
        %dma_start3A_376 = tpu.memref_slice %arg6[%mul3A_375] : memref<10000xi32, #tpu.memory_space<vmem>> -> memref<80xi32, #tpu.memory_space<vmem>>
        %dma_start3A_377 = arith.constant 0 : i32
        %dma_start3A_378 = arith.constant 0 : i32
        %dma_start3A_379 = tpu.memref_slice %arg2[%scan3A_110, %dma_start3A_377, %dma_start3A_378] : memref<2x10000x128xf32, #tpu.memory_space<hbm>> -> memref<1x10000x128xf32, #tpu.memory_space<hbm>>
        %dma_start3A_380 = tpu.memref_squeeze %dma_start3A_379 : memref<1x10000x128xf32, #tpu.memory_space<hbm>> -> memref<10000x128xf32, #tpu.memory_space<hbm>>
        %dma_start3A_381 = arith.constant 0 : i32
        %dma_start3A_382 = arith.constant 0 : i32
        %dma_start3A_383 = tpu.memref_slice %dma_start3A_380[%dma_start3A_381, %dma_start3A_382] : memref<10000x128xf32, #tpu.memory_space<hbm>> -> memref<10000x128xf32, #tpu.memory_space<hbm>>
        tpu.enqueue_indirect_dma source(%dma_start3A_383 : memref<10000x128xf32, #tpu.memory_space<hbm>>) target(%arg10 : memref<80x128xf32, #tpu.memory_space<vmem>>) offsets(%dma_start3A_376 : memref<80xi32, #tpu.memory_space<vmem>>) semaphore(%arg13 : memref<!tpu.dma_semaphore, #tpu.memory_space<semaphore_mem>>)
        %add3A_384 = arith.constant 2 : i32
        %add3A_385 = arith.addi %mul3A_208, %add3A_384 : i32
        %mul3A_386 = arith.constant 80 : i32
        %mul3A_387 = arith.muli %add3A_385, %mul3A_386 : i32
        %add3A_388 = arith.constant 0 : i32
        %add3A_389 = arith.addi %mul3A_387, %add3A_388 : i32
        %get3A_390 = arith.index_cast %add3A_389 : i32 to index
        %get3A_391 = tpu.vector_load %arg7[%get3A_390] {strides = array<i32>} : memref<10000xi32, #tpu.memory_space<vmem>>, vector<16xi32>,
        %get3A_392 = vector.shape_cast %get3A_391 : vector<16xi32> to vector<16xi32>
        %swap3A_393 = arith.constant 0 : index
        %swap3A_394 = tpu.vector_load %arg8[%swap3A_393] {strides = array<i32>} : memref<80xi32, #tpu.memory_space<vmem>>, vector<16xi32>,
        %swap3A_395 = vector.shape_cast %swap3A_394 : vector<16xi32> to vector<16xi32>
        %swap3A_396 = vector.shape_cast %get3A_392 : vector<16xi32> to vector<16xi32>
        tpu.vector_store %arg8[%swap3A_393], %swap3A_396 {strides = array<i32>} : memref<80xi32, #tpu.memory_space<vmem>>, vector<16xi32>,
        %mul3A_397 = arith.constant 80 : i32
        %mul3A_398 = arith.muli %add3A_385, %mul3A_397 : i32
        %add3A_399 = arith.constant 16 : i32
        %add3A_400 = arith.addi %mul3A_398, %add3A_399 : i32
        %get3A_401 = arith.index_cast %add3A_400 : i32 to index
        %get3A_402 = tpu.vector_load %arg7[%get3A_401] {strides = array<i32>} : memref<10000xi32, #tpu.memory_space<vmem>>, vector<16xi32>,
        %get3A_403 = vector.shape_cast %get3A_402 : vector<16xi32> to vector<16xi32>
        %swap3A_404 = arith.constant 16 : index
        %swap3A_405 = tpu.vector_load %arg8[%swap3A_404] {strides = array<i32>} : memref<80xi32, #tpu.memory_space<vmem>>, vector<16xi32>,
        %swap3A_406 = vector.shape_cast %swap3A_405 : vector<16xi32> to vector<16xi32>
        %swap3A_407 = vector.shape_cast %get3A_403 : vector<16xi32> to vector<16xi32>
        tpu.vector_store %arg8[%swap3A_404], %swap3A_407 {strides = array<i32>} : memref<80xi32, #tpu.memory_space<vmem>>, vector<16xi32>,
        %mul3A_408 = arith.constant 80 : i32
        %mul3A_409 = arith.muli %add3A_385, %mul3A_408 : i32
        %add3A_410 = arith.constant 32 : i32
        %add3A_411 = arith.addi %mul3A_409, %add3A_410 : i32
        %get3A_412 = arith.index_cast %add3A_411 : i32 to index
        %get3A_413 = tpu.vector_load %arg7[%get3A_412] {strides = array<i32>} : memref<10000xi32, #tpu.memory_space<vmem>>, vector<16xi32>,
        %get3A_414 = vector.shape_cast %get3A_413 : vector<16xi32> to vector<16xi32>
        %swap3A_415 = arith.constant 32 : index
        %swap3A_416 = tpu.vector_load %arg8[%swap3A_415] {strides = array<i32>} : memref<80xi32, #tpu.memory_space<vmem>>, vector<16xi32>,
        %swap3A_417 = vector.shape_cast %swap3A_416 : vector<16xi32> to vector<16xi32>
        %swap3A_418 = vector.shape_cast %get3A_414 : vector<16xi32> to vector<16xi32>
        tpu.vector_store %arg8[%swap3A_415], %swap3A_418 {strides = array<i32>} : memref<80xi32, #tpu.memory_space<vmem>>, vector<16xi32>,
        %mul3A_419 = arith.constant 80 : i32
        %mul3A_420 = arith.muli %add3A_385, %mul3A_419 : i32
        %add3A_421 = arith.constant 48 : i32
        %add3A_422 = arith.addi %mul3A_420, %add3A_421 : i32
        %get3A_423 = arith.index_cast %add3A_422 : i32 to index
        %get3A_424 = tpu.vector_load %arg7[%get3A_423] {strides = array<i32>} : memref<10000xi32, #tpu.memory_space<vmem>>, vector<16xi32>,
        %get3A_425 = vector.shape_cast %get3A_424 : vector<16xi32> to vector<16xi32>
        %swap3A_426 = arith.constant 48 : index
        %swap3A_427 = tpu.vector_load %arg8[%swap3A_426] {strides = array<i32>} : memref<80xi32, #tpu.memory_space<vmem>>, vector<16xi32>,
        %swap3A_428 = vector.shape_cast %swap3A_427 : vector<16xi32> to vector<16xi32>
        %swap3A_429 = vector.shape_cast %get3A_425 : vector<16xi32> to vector<16xi32>
        tpu.vector_store %arg8[%swap3A_426], %swap3A_429 {strides = array<i32>} : memref<80xi32, #tpu.memory_space<vmem>>, vector<16xi32>,
        %mul3A_430 = arith.constant 80 : i32
        %mul3A_431 = arith.muli %add3A_385, %mul3A_430 : i32
        %add3A_432 = arith.constant 64 : i32
        %add3A_433 = arith.addi %mul3A_431, %add3A_432 : i32
        %get3A_434 = arith.index_cast %add3A_433 : i32 to index
        %get3A_435 = tpu.vector_load %arg7[%get3A_434] {strides = array<i32>} : memref<10000xi32, #tpu.memory_space<vmem>>, vector<16xi32>,
        %get3A_436 = vector.shape_cast %get3A_435 : vector<16xi32> to vector<16xi32>
        %swap3A_437 = arith.constant 64 : index
        %swap3A_438 = tpu.vector_load %arg8[%swap3A_437] {strides = array<i32>} : memref<80xi32, #tpu.memory_space<vmem>>, vector<16xi32>,
        %swap3A_439 = vector.shape_cast %swap3A_438 : vector<16xi32> to vector<16xi32>
        %swap3A_440 = vector.shape_cast %get3A_436 : vector<16xi32> to vector<16xi32>
        tpu.vector_store %arg8[%swap3A_437], %swap3A_440 {strides = array<i32>} : memref<80xi32, #tpu.memory_space<vmem>>, vector<16xi32>,
        "tpu.region"() ({
          %run_scoped3A = tpu.sem_alloc : memref<!tpu.dma_semaphore, #tpu.memory_space<semaphore_mem>>
          %dma_start3A_441 = arith.constant 0 : i32
          %dma_start3A_442 = arith.constant 0 : i32
          %dma_start3A_443 = tpu.memref_slice %arg5[%dma_start3A_441, %dma_start3A_442] : memref<10000x128xf32, #tpu.memory_space<vmem_shared>> -> memref<10000x128xf32, #tpu.memory_space<vmem_shared>>
          tpu.enqueue_indirect_dma source(%arg11 : memref<80x128xf32, #tpu.memory_space<vmem>>) target(%dma_start3A_443 : memref<10000x128xf32, #tpu.memory_space<vmem_shared>>) offsets(%arg8 : memref<80xi32, #tpu.memory_space<vmem>>) semaphore(%run_scoped3A : memref<!tpu.dma_semaphore, #tpu.memory_space<semaphore_mem>>) {add = true}
          %dma_wait3A_444 = arith.constant 0 : i32
          %dma_wait3A_445 = arith.constant 0 : i32
          %dma_wait3A_446 = tpu.memref_slice %arg5[%dma_wait3A_444, %dma_wait3A_445] : memref<10000x128xf32, #tpu.memory_space<vmem_shared>> -> memref<10000x128xf32, #tpu.memory_space<vmem_shared>>
          tpu.wait_indirect_dma semaphore(%run_scoped3A : memref<!tpu.dma_semaphore, #tpu.memory_space<semaphore_mem>>) src(%arg11 : memref<80x128xf32, #tpu.memory_space<vmem>>) dst(%dma_wait3A_446 : memref<10000x128xf32, #tpu.memory_space<vmem_shared>>)
          tpu.yield
        }) : () -> ()
      }
      %scan3A_115 = arith.constant 41 : i32
      %dma_wait3A_116 = arith.constant 0 : i32
      %dma_wait3A_117 = arith.constant 0 : i32
      %dma_wait3A_118 = tpu.memref_slice %arg6[%dma_wait3A_117] : memref<10000xi32, #tpu.memory_space<vmem>> -> memref<80xi32, #tpu.memory_space<vmem>>
      %dma_wait3A_119 = arith.constant 0 : i32
      %dma_wait3A_120 = arith.constant 0 : i32
      %dma_wait3A_121 = tpu.memref_slice %arg2[%dma_wait3A_116, %dma_wait3A_119, %dma_wait3A_120] : memref<2x10000x128xf32, #tpu.memory_space<hbm>> -> memref<1x10000x128xf32, #tpu.memory_space<hbm>>
      %dma_wait3A_122 = tpu.memref_squeeze %dma_wait3A_121 : memref<1x10000x128xf32, #tpu.memory_space<hbm>> -> memref<10000x128xf32, #tpu.memory_space<hbm>>
      %dma_wait3A_123 = arith.constant 0 : i32
      %dma_wait3A_124 = arith.constant 0 : i32
      %dma_wait3A_125 = tpu.memref_slice %dma_wait3A_122[%dma_wait3A_123, %dma_wait3A_124] : memref<10000x128xf32, #tpu.memory_space<hbm>> -> memref<10000x128xf32, #tpu.memory_space<hbm>>
      tpu.wait_indirect_dma semaphore(%arg12 : memref<!tpu.dma_semaphore, #tpu.memory_space<semaphore_mem>>) src(%dma_wait3A_125 : memref<10000x128xf32, #tpu.memory_space<hbm>>) dst(%arg9 : memref<80x128xf32, #tpu.memory_space<vmem>>)
      %get3A = arith.constant 9840 : index
      %get3A_126 = tpu.vector_load %arg7[%get3A] {strides = array<i32>} : memref<10000xi32, #tpu.memory_space<vmem>>, vector<16xi32>,
      %get3A_127 = vector.shape_cast %get3A_126 : vector<16xi32> to vector<16xi32>
      %swap3A = arith.constant 0 : index
      %swap3A_128 = tpu.vector_load %arg8[%swap3A] {strides = array<i32>} : memref<80xi32, #tpu.memory_space<vmem>>, vector<16xi32>,
      %swap3A_129 = vector.shape_cast %swap3A_128 : vector<16xi32> to vector<16xi32>
      %swap3A_130 = vector.shape_cast %get3A_127 : vector<16xi32> to vector<16xi32>
      tpu.vector_store %arg8[%swap3A], %swap3A_130 {strides = array<i32>} : memref<80xi32, #tpu.memory_space<vmem>>, vector<16xi32>,
      %get3A_131 = arith.constant 9856 : index
      %get3A_132 = tpu.vector_load %arg7[%get3A_131] {strides = array<i32>} : memref<10000xi32, #tpu.memory_space<vmem>>, vector<16xi32>,
      %get3A_133 = vector.shape_cast %get3A_132 : vector<16xi32> to vector<16xi32>
      %swap3A_134 = arith.constant 16 : index
      %swap3A_135 = tpu.vector_load %arg8[%swap3A_134] {strides = array<i32>} : memref<80xi32, #tpu.memory_space<vmem>>, vector<16xi32>,
      %swap3A_136 = vector.shape_cast %swap3A_135 : vector<16xi32> to vector<16xi32>
      %swap3A_137 = vector.shape_cast %get3A_133 : vector<16xi32> to vector<16xi32>
      tpu.vector_store %arg8[%swap3A_134], %swap3A_137 {strides = array<i32>} : memref<80xi32, #tpu.memory_space<vmem>>, vector<16xi32>,
      %get3A_138 = arith.constant 9872 : index
      %get3A_139 = tpu.vector_load %arg7[%get3A_138] {strides = array<i32>} : memref<10000xi32, #tpu.memory_space<vmem>>, vector<16xi32>,
      %get3A_140 = vector.shape_cast %get3A_139 : vector<16xi32> to vector<16xi32>
      %swap3A_141 = arith.constant 32 : index
      %swap3A_142 = tpu.vector_load %arg8[%swap3A_141] {strides = array<i32>} : memref<80xi32, #tpu.memory_space<vmem>>, vector<16xi32>,
      %swap3A_143 = vector.shape_cast %swap3A_142 : vector<16xi32> to vector<16xi32>
      %swap3A_144 = vector.shape_cast %get3A_140 : vector<16xi32> to vector<16xi32>
      tpu.vector_store %arg8[%swap3A_141], %swap3A_144 {strides = array<i32>} : memref<80xi32, #tpu.memory_space<vmem>>, vector<16xi32>,
      %get3A_145 = arith.constant 9888 : index
      %get3A_146 = tpu.vector_load %arg7[%get3A_145] {strides = array<i32>} : memref<10000xi32, #tpu.memory_space<vmem>>, vector<16xi32>,
      %get3A_147 = vector.shape_cast %get3A_146 : vector<16xi32> to vector<16xi32>
      %swap3A_148 = arith.constant 48 : index
      %swap3A_149 = tpu.vector_load %arg8[%swap3A_148] {strides = array<i32>} : memref<80xi32, #tpu.memory_space<vmem>>, vector<16xi32>,
      %swap3A_150 = vector.shape_cast %swap3A_149 : vector<16xi32> to vector<16xi32>
      %swap3A_151 = vector.shape_cast %get3A_147 : vector<16xi32> to vector<16xi32>
      tpu.vector_store %arg8[%swap3A_148], %swap3A_151 {strides = array<i32>} : memref<80xi32, #tpu.memory_space<vmem>>, vector<16xi32>,
      %get3A_152 = arith.constant 9904 : index
      %get3A_153 = tpu.vector_load %arg7[%get3A_152] {strides = array<i32>} : memref<10000xi32, #tpu.memory_space<vmem>>, vector<16xi32>,
      %get3A_154 = vector.shape_cast %get3A_153 : vector<16xi32> to vector<16xi32>
      %swap3A_155 = arith.constant 64 : index
      %swap3A_156 = tpu.vector_load %arg8[%swap3A_155] {strides = array<i32>} : memref<80xi32, #tpu.memory_space<vmem>>, vector<16xi32>,
      %swap3A_157 = vector.shape_cast %swap3A_156 : vector<16xi32> to vector<16xi32>
      %swap3A_158 = vector.shape_cast %get3A_154 : vector<16xi32> to vector<16xi32>
      tpu.vector_store %arg8[%swap3A_155], %swap3A_158 {strides = array<i32>} : memref<80xi32, #tpu.memory_space<vmem>>, vector<16xi32>,
      "tpu.region"() ({
        %run_scoped3A = tpu.sem_alloc : memref<!tpu.dma_semaphore, #tpu.memory_space<semaphore_mem>>
        %dma_start3A_204 = arith.constant 0 : i32
        %dma_start3A_205 = arith.constant 0 : i32
        %dma_start3A_206 = tpu.memref_slice %arg5[%dma_start3A_204, %dma_start3A_205] : memref<10000x128xf32, #tpu.memory_space<vmem_shared>> -> memref<10000x128xf32, #tpu.memory_space<vmem_shared>>
        tpu.enqueue_indirect_dma source(%arg9 : memref<80x128xf32, #tpu.memory_space<vmem>>) target(%dma_start3A_206 : memref<10000x128xf32, #tpu.memory_space<vmem_shared>>) offsets(%arg8 : memref<80xi32, #tpu.memory_space<vmem>>) semaphore(%run_scoped3A : memref<!tpu.dma_semaphore, #tpu.memory_space<semaphore_mem>>) {add = true}
        %dma_wait3A_207 = arith.constant 0 : i32
        %dma_wait3A_208 = arith.constant 0 : i32
        %dma_wait3A_209 = tpu.memref_slice %arg5[%dma_wait3A_207, %dma_wait3A_208] : memref<10000x128xf32, #tpu.memory_space<vmem_shared>> -> memref<10000x128xf32, #tpu.memory_space<vmem_shared>>
        tpu.wait_indirect_dma semaphore(%run_scoped3A : memref<!tpu.dma_semaphore, #tpu.memory_space<semaphore_mem>>) src(%arg9 : memref<80x128xf32, #tpu.memory_space<vmem>>) dst(%dma_wait3A_209 : memref<10000x128xf32, #tpu.memory_space<vmem_shared>>)
        tpu.yield
      }) : () -> ()
      %dma_wait3A_159 = arith.constant 0 : i32
      %dma_wait3A_160 = arith.constant 0 : i32
      %dma_wait3A_161 = tpu.memref_slice %arg6[%dma_wait3A_160] : memref<10000xi32, #tpu.memory_space<vmem>> -> memref<80xi32, #tpu.memory_space<vmem>>
      %dma_wait3A_162 = arith.constant 0 : i32
      %dma_wait3A_163 = arith.constant 0 : i32
      %dma_wait3A_164 = tpu.memref_slice %arg2[%dma_wait3A_159, %dma_wait3A_162, %dma_wait3A_163] : memref<2x10000x128xf32, #tpu.memory_space<hbm>> -> memref<1x10000x128xf32, #tpu.memory_space<hbm>>
      %dma_wait3A_165 = tpu.memref_squeeze %dma_wait3A_164 : memref<1x10000x128xf32, #tpu.memory_space<hbm>> -> memref<10000x128xf32, #tpu.memory_space<hbm>>
      %dma_wait3A_166 = arith.constant 0 : i32
      %dma_wait3A_167 = arith.constant 0 : i32
      %dma_wait3A_168 = tpu.memref_slice %dma_wait3A_165[%dma_wait3A_166, %dma_wait3A_167] : memref<10000x128xf32, #tpu.memory_space<hbm>> -> memref<10000x128xf32, #tpu.memory_space<hbm>>
      tpu.wait_indirect_dma semaphore(%arg13 : memref<!tpu.dma_semaphore, #tpu.memory_space<semaphore_mem>>) src(%dma_wait3A_168 : memref<10000x128xf32, #tpu.memory_space<hbm>>) dst(%arg10 : memref<80x128xf32, #tpu.memory_space<vmem>>)
      %get3A_169 = arith.constant 9920 : index
      %get3A_170 = tpu.vector_load %arg7[%get3A_169] {strides = array<i32>} : memref<10000xi32, #tpu.memory_space<vmem>>, vector<16xi32>,
      %get3A_171 = vector.shape_cast %get3A_170 : vector<16xi32> to vector<16xi32>
      %swap3A_172 = arith.constant 0 : index
      %swap3A_173 = tpu.vector_load %arg8[%swap3A_172] {strides = array<i32>} : memref<80xi32, #tpu.memory_space<vmem>>, vector<16xi32>,
      %swap3A_174 = vector.shape_cast %swap3A_173 : vector<16xi32> to vector<16xi32>
      %swap3A_175 = vector.shape_cast %get3A_171 : vector<16xi32> to vector<16xi32>
      tpu.vector_store %arg8[%swap3A_172], %swap3A_175 {strides = array<i32>} : memref<80xi32, #tpu.memory_space<vmem>>, vector<16xi32>,
      %get3A_176 = arith.constant 9936 : index
      %get3A_177 = tpu.vector_load %arg7[%get3A_176] {strides = array<i32>} : memref<10000xi32, #tpu.memory_space<vmem>>, vector<16xi32>,
      %get3A_178 = vector.shape_cast %get3A_177 : vector<16xi32> to vector<16xi32>
      %swap3A_179 = arith.constant 16 : index
      %swap3A_180 = tpu.vector_load %arg8[%swap3A_179] {strides = array<i32>} : memref<80xi32, #tpu.memory_space<vmem>>, vector<16xi32>,
      %swap3A_181 = vector.shape_cast %swap3A_180 : vector<16xi32> to vector<16xi32>
      %swap3A_182 = vector.shape_cast %get3A_178 : vector<16xi32> to vector<16xi32>
      tpu.vector_store %arg8[%swap3A_179], %swap3A_182 {strides = array<i32>} : memref<80xi32, #tpu.memory_space<vmem>>, vector<16xi32>,
      %get3A_183 = arith.constant 9952 : index
      %get3A_184 = tpu.vector_load %arg7[%get3A_183] {strides = array<i32>} : memref<10000xi32, #tpu.memory_space<vmem>>, vector<16xi32>,
      %get3A_185 = vector.shape_cast %get3A_184 : vector<16xi32> to vector<16xi32>
      %swap3A_186 = arith.constant 32 : index
      %swap3A_187 = tpu.vector_load %arg8[%swap3A_186] {strides = array<i32>} : memref<80xi32, #tpu.memory_space<vmem>>, vector<16xi32>,
      %swap3A_188 = vector.shape_cast %swap3A_187 : vector<16xi32> to vector<16xi32>
      %swap3A_189 = vector.shape_cast %get3A_185 : vector<16xi32> to vector<16xi32>
      tpu.vector_store %arg8[%swap3A_186], %swap3A_189 {strides = array<i32>} : memref<80xi32, #tpu.memory_space<vmem>>, vector<16xi32>,
      %get3A_190 = arith.constant 9968 : index
      %get3A_191 = tpu.vector_load %arg7[%get3A_190] {strides = array<i32>} : memref<10000xi32, #tpu.memory_space<vmem>>, vector<16xi32>,
      %get3A_192 = vector.shape_cast %get3A_191 : vector<16xi32> to vector<16xi32>
      %swap3A_193 = arith.constant 48 : index
      %swap3A_194 = tpu.vector_load %arg8[%swap3A_193] {strides = array<i32>} : memref<80xi32, #tpu.memory_space<vmem>>, vector<16xi32>,
      %swap3A_195 = vector.shape_cast %swap3A_194 : vector<16xi32> to vector<16xi32>
      %swap3A_196 = vector.shape_cast %get3A_192 : vector<16xi32> to vector<16xi32>
      tpu.vector_store %arg8[%swap3A_193], %swap3A_196 {strides = array<i32>} : memref<80xi32, #tpu.memory_space<vmem>>, vector<16xi32>,
      %get3A_197 = arith.constant 9984 : index
      %get3A_198 = tpu.vector_load %arg7[%get3A_197] {strides = array<i32>} : memref<10000xi32, #tpu.memory_space<vmem>>, vector<16xi32>,
      %get3A_199 = vector.shape_cast %get3A_198 : vector<16xi32> to vector<16xi32>
      %swap3A_200 = arith.constant 64 : index
      %swap3A_201 = tpu.vector_load %arg8[%swap3A_200] {strides = array<i32>} : memref<80xi32, #tpu.memory_space<vmem>>, vector<16xi32>,
      %swap3A_202 = vector.shape_cast %swap3A_201 : vector<16xi32> to vector<16xi32>
      %swap3A_203 = vector.shape_cast %get3A_199 : vector<16xi32> to vector<16xi32>
      tpu.vector_store %arg8[%swap3A_200], %swap3A_203 {strides = array<i32>} : memref<80xi32, #tpu.memory_space<vmem>>, vector<16xi32>,
      "tpu.region"() ({
        %run_scoped3A = tpu.sem_alloc : memref<!tpu.dma_semaphore, #tpu.memory_space<semaphore_mem>>
        %dma_start3A_204 = arith.constant 0 : i32
        %dma_start3A_205 = arith.constant 0 : i32
        %dma_start3A_206 = tpu.memref_slice %arg5[%dma_start3A_204, %dma_start3A_205] : memref<10000x128xf32, #tpu.memory_space<vmem_shared>> -> memref<10000x128xf32, #tpu.memory_space<vmem_shared>>
        tpu.enqueue_indirect_dma source(%arg10 : memref<80x128xf32, #tpu.memory_space<vmem>>) target(%dma_start3A_206 : memref<10000x128xf32, #tpu.memory_space<vmem_shared>>) offsets(%arg8 : memref<80xi32, #tpu.memory_space<vmem>>) semaphore(%run_scoped3A : memref<!tpu.dma_semaphore, #tpu.memory_space<semaphore_mem>>) {add = true}
        %dma_wait3A_207 = arith.constant 0 : i32
        %dma_wait3A_208 = arith.constant 0 : i32
        %dma_wait3A_209 = tpu.memref_slice %arg5[%dma_wait3A_207, %dma_wait3A_208] : memref<10000x128xf32, #tpu.memory_space<vmem_shared>> -> memref<10000x128xf32, #tpu.memory_space<vmem_shared>>
        tpu.wait_indirect_dma semaphore(%run_scoped3A : memref<!tpu.dma_semaphore, #tpu.memory_space<semaphore_mem>>) src(%arg10 : memref<80x128xf32, #tpu.memory_space<vmem>>) dst(%dma_wait3A_209 : memref<10000x128xf32, #tpu.memory_space<vmem_shared>>)
        tpu.yield
      }) : () -> ()
    } else {
    }
    %eq3A_74 = arith.constant 1 : i32
    %eq3A_75 = arith.cmpi eq, %arg0, %eq3A_74 : i32
    %convert_element_type3A_76 = arith.extui %eq3A_75 : i1 to i32
    %cond3A_77 = arith.constant 0 : i32
    %cond3A_78 = arith.cmpi ne, %convert_element_type3A_76, %cond3A_77 : i32
    scf.if %cond3A_78 {
      %dma_start3A_89 = arith.constant 1 : i32
      %dma_start3A_90 = arith.constant 0 : i32
      %dma_start3A_91 = tpu.memref_slice %arg6[%dma_start3A_90] : memref<10000xi32, #tpu.memory_space<vmem>> -> memref<80xi32, #tpu.memory_space<vmem>>
      %dma_start3A_92 = arith.constant 0 : i32
      %dma_start3A_93 = arith.constant 0 : i32
      %dma_start3A_94 = tpu.memref_slice %arg2[%dma_start3A_89, %dma_start3A_92, %dma_start3A_93] : memref<2x10000x128xf32, #tpu.memory_space<hbm>> -> memref<1x10000x128xf32, #tpu.memory_space<hbm>>
      %dma_start3A_95 = tpu.memref_squeeze %dma_start3A_94 : memref<1x10000x128xf32, #tpu.memory_space<hbm>> -> memref<10000x128xf32, #tpu.memory_space<hbm>>
      %dma_start3A_96 = arith.constant 0 : i32
      %dma_start3A_97 = arith.constant 0 : i32
      %dma_start3A_98 = tpu.memref_slice %dma_start3A_95[%dma_start3A_96, %dma_start3A_97] : memref<10000x128xf32, #tpu.memory_space<hbm>> -> memref<10000x128xf32, #tpu.memory_space<hbm>>
      tpu.enqueue_indirect_dma source(%dma_start3A_98 : memref<10000x128xf32, #tpu.memory_space<hbm>>) target(%arg9 : memref<80x128xf32, #tpu.memory_space<vmem>>) offsets(%dma_start3A_91 : memref<80xi32, #tpu.memory_space<vmem>>) semaphore(%arg12 : memref<!tpu.dma_semaphore, #tpu.memory_space<semaphore_mem>>)
      %dma_start3A_99 = arith.constant 1 : i32
      %dma_start3A_100 = arith.constant 80 : i32
      %dma_start3A_101 = tpu.memref_slice %arg6[%dma_start3A_100] : memref<10000xi32, #tpu.memory_space<vmem>> -> memref<80xi32, #tpu.memory_space<vmem>>
      %dma_start3A_102 = arith.constant 0 : i32
      %dma_start3A_103 = arith.constant 0 : i32
      %dma_start3A_104 = tpu.memref_slice %arg2[%dma_start3A_99, %dma_start3A_102, %dma_start3A_103] : memref<2x10000x128xf32, #tpu.memory_space<hbm>> -> memref<1x10000x128xf32, #tpu.memory_space<hbm>>
      %dma_start3A_105 = tpu.memref_squeeze %dma_start3A_104 : memref<1x10000x128xf32, #tpu.memory_space<hbm>> -> memref<10000x128xf32, #tpu.memory_space<hbm>>
      %dma_start3A_106 = arith.constant 0 : i32
      %dma_start3A_107 = arith.constant 0 : i32
      %dma_start3A_108 = tpu.memref_slice %dma_start3A_105[%dma_start3A_106, %dma_start3A_107] : memref<10000x128xf32, #tpu.memory_space<hbm>> -> memref<10000x128xf32, #tpu.memory_space<hbm>>
      tpu.enqueue_indirect_dma source(%dma_start3A_108 : memref<10000x128xf32, #tpu.memory_space<hbm>>) target(%arg10 : memref<80x128xf32, #tpu.memory_space<vmem>>) offsets(%dma_start3A_101 : memref<80xi32, #tpu.memory_space<vmem>>) semaphore(%arg13 : memref<!tpu.dma_semaphore, #tpu.memory_space<semaphore_mem>>)
      %barrier3A_109 = arith.constant 0 : index
      tpu.barrier barrier_id(%barrier3A_109)
      %scan3A_110 = arith.constant 1 : i32
      %scan3A_111 = arith.constant 0 : i32
      %scan3A_112 = arith.constant 41 : i32
      %scan3A_113 = arith.addi %scan3A_111, %scan3A_112 : i32
      %scan3A_114 = arith.constant 1 : i32
      scf.for %scan3A_204 = %scan3A_111 to %scan3A_113 step %scan3A_114  : i32 {
        %mul3A = arith.constant 1 : i32
        %mul3A_205 = arith.muli %scan3A_204, %mul3A : i32
        %add3A = arith.constant 0 : i32
        %add3A_206 = arith.addi %add3A, %mul3A_205 : i32
        %mul3A_207 = arith.constant 3 : i32
        %mul3A_208 = arith.muli %mul3A_207, %add3A_206 : i32
        %dma_wait3A_209 = arith.constant 0 : i32
        %dma_wait3A_210 = tpu.memref_slice %arg6[%dma_wait3A_209] : memref<10000xi32, #tpu.memory_space<vmem>> -> memref<80xi32, #tpu.memory_space<vmem>>
        %dma_wait3A_211 = arith.constant 0 : i32
        %dma_wait3A_212 = arith.constant 0 : i32
        %dma_wait3A_213 = tpu.memref_slice %arg2[%scan3A_110, %dma_wait3A_211, %dma_wait3A_212] : memref<2x10000x128xf32, #tpu.memory_space<hbm>> -> memref<1x10000x128xf32, #tpu.memory_space<hbm>>
        %dma_wait3A_214 = tpu.memref_squeeze %dma_wait3A_213 : memref<1x10000x128xf32, #tpu.memory_space<hbm>> -> memref<10000x128xf32, #tpu.memory_space<hbm>>
        %dma_wait3A_215 = arith.constant 0 : i32
        %dma_wait3A_216 = arith.constant 0 : i32
        %dma_wait3A_217 = tpu.memref_slice %dma_wait3A_214[%dma_wait3A_215, %dma_wait3A_216] : memref<10000x128xf32, #tpu.memory_space<hbm>> -> memref<10000x128xf32, #tpu.memory_space<hbm>>
        tpu.wait_indirect_dma semaphore(%arg12 : memref<!tpu.dma_semaphore, #tpu.memory_space<semaphore_mem>>) src(%dma_wait3A_217 : memref<10000x128xf32, #tpu.memory_space<hbm>>) dst(%arg9 : memref<80x128xf32, #tpu.memory_space<vmem>>)
        %add3A_218 = arith.constant 2 : i32
        %add3A_219 = arith.addi %mul3A_208, %add3A_218 : i32
        %mul3A_220 = arith.constant 80 : i32
        %mul3A_221 = arith.muli %add3A_219, %mul3A_220 : i32
        %dma_start3A_222 = tpu.memref_slice %arg6[%mul3A_221] : memref<10000xi32, #tpu.memory_space<vmem>> -> memref<80xi32, #tpu.memory_space<vmem>>
        %dma_start3A_223 = arith.constant 0 : i32
        %dma_start3A_224 = arith.constant 0 : i32
        %dma_start3A_225 = tpu.memref_slice %arg2[%scan3A_110, %dma_start3A_223, %dma_start3A_224] : memref<2x10000x128xf32, #tpu.memory_space<hbm>> -> memref<1x10000x128xf32, #tpu.memory_space<hbm>>
        %dma_start3A_226 = tpu.memref_squeeze %dma_start3A_225 : memref<1x10000x128xf32, #tpu.memory_space<hbm>> -> memref<10000x128xf32, #tpu.memory_space<hbm>>
        %dma_start3A_227 = arith.constant 0 : i32
        %dma_start3A_228 = arith.constant 0 : i32
        %dma_start3A_229 = tpu.memref_slice %dma_start3A_226[%dma_start3A_227, %dma_start3A_228] : memref<10000x128xf32, #tpu.memory_space<hbm>> -> memref<10000x128xf32, #tpu.memory_space<hbm>>
        tpu.enqueue_indirect_dma source(%dma_start3A_229 : memref<10000x128xf32, #tpu.memory_space<hbm>>) target(%arg11 : memref<80x128xf32, #tpu.memory_space<vmem>>) offsets(%dma_start3A_222 : memref<80xi32, #tpu.memory_space<vmem>>) semaphore(%arg14 : memref<!tpu.dma_semaphore, #tpu.memory_space<semaphore_mem>>)
        %mul3A_230 = arith.constant 80 : i32
        %mul3A_231 = arith.muli %mul3A_208, %mul3A_230 : i32
        %add3A_232 = arith.constant 0 : i32
        %add3A_233 = arith.addi %mul3A_231, %add3A_232 : i32
        %get3A_234 = arith.index_cast %add3A_233 : i32 to index
        %get3A_235 = tpu.vector_load %arg7[%get3A_234] {strides = array<i32>} : memref<10000xi32, #tpu.memory_space<vmem>>, vector<16xi32>,
        %get3A_236 = vector.shape_cast %get3A_235 : vector<16xi32> to vector<16xi32>
        %swap3A_237 = arith.constant 0 : index
        %swap3A_238 = tpu.vector_load %arg8[%swap3A_237] {strides = array<i32>} : memref<80xi32, #tpu.memory_space<vmem>>, vector<16xi32>,
        %swap3A_239 = vector.shape_cast %swap3A_238 : vector<16xi32> to vector<16xi32>
        %swap3A_240 = vector.shape_cast %get3A_236 : vector<16xi32> to vector<16xi32>
        tpu.vector_store %arg8[%swap3A_237], %swap3A_240 {strides = array<i32>} : memref<80xi32, #tpu.memory_space<vmem>>, vector<16xi32>,
        %mul3A_241 = arith.constant 80 : i32
        %mul3A_242 = arith.muli %mul3A_208, %mul3A_241 : i32
        %add3A_243 = arith.constant 16 : i32
        %add3A_244 = arith.addi %mul3A_242, %add3A_243 : i32
        %get3A_245 = arith.index_cast %add3A_244 : i32 to index
        %get3A_246 = tpu.vector_load %arg7[%get3A_245] {strides = array<i32>} : memref<10000xi32, #tpu.memory_space<vmem>>, vector<16xi32>,
        %get3A_247 = vector.shape_cast %get3A_246 : vector<16xi32> to vector<16xi32>
        %swap3A_248 = arith.constant 16 : index
        %swap3A_249 = tpu.vector_load %arg8[%swap3A_248] {strides = array<i32>} : memref<80xi32, #tpu.memory_space<vmem>>, vector<16xi32>,
        %swap3A_250 = vector.shape_cast %swap3A_249 : vector<16xi32> to vector<16xi32>
        %swap3A_251 = vector.shape_cast %get3A_247 : vector<16xi32> to vector<16xi32>
        tpu.vector_store %arg8[%swap3A_248], %swap3A_251 {strides = array<i32>} : memref<80xi32, #tpu.memory_space<vmem>>, vector<16xi32>,
        %mul3A_252 = arith.constant 80 : i32
        %mul3A_253 = arith.muli %mul3A_208, %mul3A_252 : i32
        %add3A_254 = arith.constant 32 : i32
        %add3A_255 = arith.addi %mul3A_253, %add3A_254 : i32
        %get3A_256 = arith.index_cast %add3A_255 : i32 to index
        %get3A_257 = tpu.vector_load %arg7[%get3A_256] {strides = array<i32>} : memref<10000xi32, #tpu.memory_space<vmem>>, vector<16xi32>,
        %get3A_258 = vector.shape_cast %get3A_257 : vector<16xi32> to vector<16xi32>
        %swap3A_259 = arith.constant 32 : index
        %swap3A_260 = tpu.vector_load %arg8[%swap3A_259] {strides = array<i32>} : memref<80xi32, #tpu.memory_space<vmem>>, vector<16xi32>,
        %swap3A_261 = vector.shape_cast %swap3A_260 : vector<16xi32> to vector<16xi32>
        %swap3A_262 = vector.shape_cast %get3A_258 : vector<16xi32> to vector<16xi32>
        tpu.vector_store %arg8[%swap3A_259], %swap3A_262 {strides = array<i32>} : memref<80xi32, #tpu.memory_space<vmem>>, vector<16xi32>,
        %mul3A_263 = arith.constant 80 : i32
        %mul3A_264 = arith.muli %mul3A_208, %mul3A_263 : i32
        %add3A_265 = arith.constant 48 : i32
        %add3A_266 = arith.addi %mul3A_264, %add3A_265 : i32
        %get3A_267 = arith.index_cast %add3A_266 : i32 to index
        %get3A_268 = tpu.vector_load %arg7[%get3A_267] {strides = array<i32>} : memref<10000xi32, #tpu.memory_space<vmem>>, vector<16xi32>,
        %get3A_269 = vector.shape_cast %get3A_268 : vector<16xi32> to vector<16xi32>
        %swap3A_270 = arith.constant 48 : index
        %swap3A_271 = tpu.vector_load %arg8[%swap3A_270] {strides = array<i32>} : memref<80xi32, #tpu.memory_space<vmem>>, vector<16xi32>,
        %swap3A_272 = vector.shape_cast %swap3A_271 : vector<16xi32> to vector<16xi32>
        %swap3A_273 = vector.shape_cast %get3A_269 : vector<16xi32> to vector<16xi32>
        tpu.vector_store %arg8[%swap3A_270], %swap3A_273 {strides = array<i32>} : memref<80xi32, #tpu.memory_space<vmem>>, vector<16xi32>,
        %mul3A_274 = arith.constant 80 : i32
        %mul3A_275 = arith.muli %mul3A_208, %mul3A_274 : i32
        %add3A_276 = arith.constant 64 : i32
        %add3A_277 = arith.addi %mul3A_275, %add3A_276 : i32
        %get3A_278 = arith.index_cast %add3A_277 : i32 to index
        %get3A_279 = tpu.vector_load %arg7[%get3A_278] {strides = array<i32>} : memref<10000xi32, #tpu.memory_space<vmem>>, vector<16xi32>,
        %get3A_280 = vector.shape_cast %get3A_279 : vector<16xi32> to vector<16xi32>
        %swap3A_281 = arith.constant 64 : index
        %swap3A_282 = tpu.vector_load %arg8[%swap3A_281] {strides = array<i32>} : memref<80xi32, #tpu.memory_space<vmem>>, vector<16xi32>,
        %swap3A_283 = vector.shape_cast %swap3A_282 : vector<16xi32> to vector<16xi32>
        %swap3A_284 = vector.shape_cast %get3A_280 : vector<16xi32> to vector<16xi32>
        tpu.vector_store %arg8[%swap3A_281], %swap3A_284 {strides = array<i32>} : memref<80xi32, #tpu.memory_space<vmem>>, vector<16xi32>,
        "tpu.region"() ({
          %run_scoped3A = tpu.sem_alloc : memref<!tpu.dma_semaphore, #tpu.memory_space<semaphore_mem>>
          %dma_start3A_441 = arith.constant 0 : i32
          %dma_start3A_442 = arith.constant 0 : i32
          %dma_start3A_443 = tpu.memref_slice %arg5[%dma_start3A_441, %dma_start3A_442] : memref<10000x128xf32, #tpu.memory_space<vmem_shared>> -> memref<10000x128xf32, #tpu.memory_space<vmem_shared>>
          tpu.enqueue_indirect_dma source(%arg9 : memref<80x128xf32, #tpu.memory_space<vmem>>) target(%dma_start3A_443 : memref<10000x128xf32, #tpu.memory_space<vmem_shared>>) offsets(%arg8 : memref<80xi32, #tpu.memory_space<vmem>>) semaphore(%run_scoped3A : memref<!tpu.dma_semaphore, #tpu.memory_space<semaphore_mem>>) {add = true}
          %dma_wait3A_444 = arith.constant 0 : i32
          %dma_wait3A_445 = arith.constant 0 : i32
          %dma_wait3A_446 = tpu.memref_slice %arg5[%dma_wait3A_444, %dma_wait3A_445] : memref<10000x128xf32, #tpu.memory_space<vmem_shared>> -> memref<10000x128xf32, #tpu.memory_space<vmem_shared>>
          tpu.wait_indirect_dma semaphore(%run_scoped3A : memref<!tpu.dma_semaphore, #tpu.memory_space<semaphore_mem>>) src(%arg9 : memref<80x128xf32, #tpu.memory_space<vmem>>) dst(%dma_wait3A_446 : memref<10000x128xf32, #tpu.memory_space<vmem_shared>>)
          tpu.yield
        }) : () -> ()
        %dma_wait3A_285 = arith.constant 0 : i32
        %dma_wait3A_286 = tpu.memref_slice %arg6[%dma_wait3A_285] : memref<10000xi32, #tpu.memory_space<vmem>> -> memref<80xi32, #tpu.memory_space<vmem>>
        %dma_wait3A_287 = arith.constant 0 : i32
        %dma_wait3A_288 = arith.constant 0 : i32
        %dma_wait3A_289 = tpu.memref_slice %arg2[%scan3A_110, %dma_wait3A_287, %dma_wait3A_288] : memref<2x10000x128xf32, #tpu.memory_space<hbm>> -> memref<1x10000x128xf32, #tpu.memory_space<hbm>>
        %dma_wait3A_290 = tpu.memref_squeeze %dma_wait3A_289 : memref<1x10000x128xf32, #tpu.memory_space<hbm>> -> memref<10000x128xf32, #tpu.memory_space<hbm>>
        %dma_wait3A_291 = arith.constant 0 : i32
        %dma_wait3A_292 = arith.constant 0 : i32
        %dma_wait3A_293 = tpu.memref_slice %dma_wait3A_290[%dma_wait3A_291, %dma_wait3A_292] : memref<10000x128xf32, #tpu.memory_space<hbm>> -> memref<10000x128xf32, #tpu.memory_space<hbm>>
        tpu.wait_indirect_dma semaphore(%arg13 : memref<!tpu.dma_semaphore, #tpu.memory_space<semaphore_mem>>) src(%dma_wait3A_293 : memref<10000x128xf32, #tpu.memory_space<hbm>>) dst(%arg10 : memref<80x128xf32, #tpu.memory_space<vmem>>)
        %add3A_294 = arith.constant 3 : i32
        %add3A_295 = arith.addi %mul3A_208, %add3A_294 : i32
        %mul3A_296 = arith.constant 80 : i32
        %mul3A_297 = arith.muli %add3A_295, %mul3A_296 : i32
        %dma_start3A_298 = tpu.memref_slice %arg6[%mul3A_297] : memref<10000xi32, #tpu.memory_space<vmem>> -> memref<80xi32, #tpu.memory_space<vmem>>
        %dma_start3A_299 = arith.constant 0 : i32
        %dma_start3A_300 = arith.constant 0 : i32
        %dma_start3A_301 = tpu.memref_slice %arg2[%scan3A_110, %dma_start3A_299, %dma_start3A_300] : memref<2x10000x128xf32, #tpu.memory_space<hbm>> -> memref<1x10000x128xf32, #tpu.memory_space<hbm>>
        %dma_start3A_302 = tpu.memref_squeeze %dma_start3A_301 : memref<1x10000x128xf32, #tpu.memory_space<hbm>> -> memref<10000x128xf32, #tpu.memory_space<hbm>>
        %dma_start3A_303 = arith.constant 0 : i32
        %dma_start3A_304 = arith.constant 0 : i32
        %dma_start3A_305 = tpu.memref_slice %dma_start3A_302[%dma_start3A_303, %dma_start3A_304] : memref<10000x128xf32, #tpu.memory_space<hbm>> -> memref<10000x128xf32, #tpu.memory_space<hbm>>
        tpu.enqueue_indirect_dma source(%dma_start3A_305 : memref<10000x128xf32, #tpu.memory_space<hbm>>) target(%arg9 : memref<80x128xf32, #tpu.memory_space<vmem>>) offsets(%dma_start3A_298 : memref<80xi32, #tpu.memory_space<vmem>>) semaphore(%arg12 : memref<!tpu.dma_semaphore, #tpu.memory_space<semaphore_mem>>)
        %add3A_306 = arith.constant 1 : i32
        %add3A_307 = arith.addi %mul3A_208, %add3A_306 : i32
        %mul3A_308 = arith.constant 80 : i32
        %mul3A_309 = arith.muli %add3A_307, %mul3A_308 : i32
        %add3A_310 = arith.constant 0 : i32
        %add3A_311 = arith.addi %mul3A_309, %add3A_310 : i32
        %get3A_312 = arith.index_cast %add3A_311 : i32 to index
        %get3A_313 = tpu.vector_load %arg7[%get3A_312] {strides = array<i32>} : memref<10000xi32, #tpu.memory_space<vmem>>, vector<16xi32>,
        %get3A_314 = vector.shape_cast %get3A_313 : vector<16xi32> to vector<16xi32>
        %swap3A_315 = arith.constant 0 : index
        %swap3A_316 = tpu.vector_load %arg8[%swap3A_315] {strides = array<i32>} : memref<80xi32, #tpu.memory_space<vmem>>, vector<16xi32>,
        %swap3A_317 = vector.shape_cast %swap3A_316 : vector<16xi32> to vector<16xi32>
        %swap3A_318 = vector.shape_cast %get3A_314 : vector<16xi32> to vector<16xi32>
        tpu.vector_store %arg8[%swap3A_315], %swap3A_318 {strides = array<i32>} : memref<80xi32, #tpu.memory_space<vmem>>, vector<16xi32>,
        %mul3A_319 = arith.constant 80 : i32
        %mul3A_320 = arith.muli %add3A_307, %mul3A_319 : i32
        %add3A_321 = arith.constant 16 : i32
        %add3A_322 = arith.addi %mul3A_320, %add3A_321 : i32
        %get3A_323 = arith.index_cast %add3A_322 : i32 to index
        %get3A_324 = tpu.vector_load %arg7[%get3A_323] {strides = array<i32>} : memref<10000xi32, #tpu.memory_space<vmem>>, vector<16xi32>,
        %get3A_325 = vector.shape_cast %get3A_324 : vector<16xi32> to vector<16xi32>
        %swap3A_326 = arith.constant 16 : index
        %swap3A_327 = tpu.vector_load %arg8[%swap3A_326] {strides = array<i32>} : memref<80xi32, #tpu.memory_space<vmem>>, vector<16xi32>,
        %swap3A_328 = vector.shape_cast %swap3A_327 : vector<16xi32> to vector<16xi32>
        %swap3A_329 = vector.shape_cast %get3A_325 : vector<16xi32> to vector<16xi32>
        tpu.vector_store %arg8[%swap3A_326], %swap3A_329 {strides = array<i32>} : memref<80xi32, #tpu.memory_space<vmem>>, vector<16xi32>,
        %mul3A_330 = arith.constant 80 : i32
        %mul3A_331 = arith.muli %add3A_307, %mul3A_330 : i32
        %add3A_332 = arith.constant 32 : i32
        %add3A_333 = arith.addi %mul3A_331, %add3A_332 : i32
        %get3A_334 = arith.index_cast %add3A_333 : i32 to index
        %get3A_335 = tpu.vector_load %arg7[%get3A_334] {strides = array<i32>} : memref<10000xi32, #tpu.memory_space<vmem>>, vector<16xi32>,
        %get3A_336 = vector.shape_cast %get3A_335 : vector<16xi32> to vector<16xi32>
        %swap3A_337 = arith.constant 32 : index
        %swap3A_338 = tpu.vector_load %arg8[%swap3A_337] {strides = array<i32>} : memref<80xi32, #tpu.memory_space<vmem>>, vector<16xi32>,
        %swap3A_339 = vector.shape_cast %swap3A_338 : vector<16xi32> to vector<16xi32>
        %swap3A_340 = vector.shape_cast %get3A_336 : vector<16xi32> to vector<16xi32>
        tpu.vector_store %arg8[%swap3A_337], %swap3A_340 {strides = array<i32>} : memref<80xi32, #tpu.memory_space<vmem>>, vector<16xi32>,
        %mul3A_341 = arith.constant 80 : i32
        %mul3A_342 = arith.muli %add3A_307, %mul3A_341 : i32
        %add3A_343 = arith.constant 48 : i32
        %add3A_344 = arith.addi %mul3A_342, %add3A_343 : i32
        %get3A_345 = arith.index_cast %add3A_344 : i32 to index
        %get3A_346 = tpu.vector_load %arg7[%get3A_345] {strides = array<i32>} : memref<10000xi32, #tpu.memory_space<vmem>>, vector<16xi32>,
        %get3A_347 = vector.shape_cast %get3A_346 : vector<16xi32> to vector<16xi32>
        %swap3A_348 = arith.constant 48 : index
        %swap3A_349 = tpu.vector_load %arg8[%swap3A_348] {strides = array<i32>} : memref<80xi32, #tpu.memory_space<vmem>>, vector<16xi32>,
        %swap3A_350 = vector.shape_cast %swap3A_349 : vector<16xi32> to vector<16xi32>
        %swap3A_351 = vector.shape_cast %get3A_347 : vector<16xi32> to vector<16xi32>
        tpu.vector_store %arg8[%swap3A_348], %swap3A_351 {strides = array<i32>} : memref<80xi32, #tpu.memory_space<vmem>>, vector<16xi32>,
        %mul3A_352 = arith.constant 80 : i32
        %mul3A_353 = arith.muli %add3A_307, %mul3A_352 : i32
        %add3A_354 = arith.constant 64 : i32
        %add3A_355 = arith.addi %mul3A_353, %add3A_354 : i32
        %get3A_356 = arith.index_cast %add3A_355 : i32 to index
        %get3A_357 = tpu.vector_load %arg7[%get3A_356] {strides = array<i32>} : memref<10000xi32, #tpu.memory_space<vmem>>, vector<16xi32>,
        %get3A_358 = vector.shape_cast %get3A_357 : vector<16xi32> to vector<16xi32>
        %swap3A_359 = arith.constant 64 : index
        %swap3A_360 = tpu.vector_load %arg8[%swap3A_359] {strides = array<i32>} : memref<80xi32, #tpu.memory_space<vmem>>, vector<16xi32>,
        %swap3A_361 = vector.shape_cast %swap3A_360 : vector<16xi32> to vector<16xi32>
        %swap3A_362 = vector.shape_cast %get3A_358 : vector<16xi32> to vector<16xi32>
        tpu.vector_store %arg8[%swap3A_359], %swap3A_362 {strides = array<i32>} : memref<80xi32, #tpu.memory_space<vmem>>, vector<16xi32>,
        "tpu.region"() ({
          %run_scoped3A = tpu.sem_alloc : memref<!tpu.dma_semaphore, #tpu.memory_space<semaphore_mem>>
          %dma_start3A_441 = arith.constant 0 : i32
          %dma_start3A_442 = arith.constant 0 : i32
          %dma_start3A_443 = tpu.memref_slice %arg5[%dma_start3A_441, %dma_start3A_442] : memref<10000x128xf32, #tpu.memory_space<vmem_shared>> -> memref<10000x128xf32, #tpu.memory_space<vmem_shared>>
          tpu.enqueue_indirect_dma source(%arg10 : memref<80x128xf32, #tpu.memory_space<vmem>>) target(%dma_start3A_443 : memref<10000x128xf32, #tpu.memory_space<vmem_shared>>) offsets(%arg8 : memref<80xi32, #tpu.memory_space<vmem>>) semaphore(%run_scoped3A : memref<!tpu.dma_semaphore, #tpu.memory_space<semaphore_mem>>) {add = true}
          %dma_wait3A_444 = arith.constant 0 : i32
          %dma_wait3A_445 = arith.constant 0 : i32
          %dma_wait3A_446 = tpu.memref_slice %arg5[%dma_wait3A_444, %dma_wait3A_445] : memref<10000x128xf32, #tpu.memory_space<vmem_shared>> -> memref<10000x128xf32, #tpu.memory_space<vmem_shared>>
          tpu.wait_indirect_dma semaphore(%run_scoped3A : memref<!tpu.dma_semaphore, #tpu.memory_space<semaphore_mem>>) src(%arg10 : memref<80x128xf32, #tpu.memory_space<vmem>>) dst(%dma_wait3A_446 : memref<10000x128xf32, #tpu.memory_space<vmem_shared>>)
          tpu.yield
        }) : () -> ()
        %dma_wait3A_363 = arith.constant 0 : i32
        %dma_wait3A_364 = tpu.memref_slice %arg6[%dma_wait3A_363] : memref<10000xi32, #tpu.memory_space<vmem>> -> memref<80xi32, #tpu.memory_space<vmem>>
        %dma_wait3A_365 = arith.constant 0 : i32
        %dma_wait3A_366 = arith.constant 0 : i32
        %dma_wait3A_367 = tpu.memref_slice %arg2[%scan3A_110, %dma_wait3A_365, %dma_wait3A_366] : memref<2x10000x128xf32, #tpu.memory_space<hbm>> -> memref<1x10000x128xf32, #tpu.memory_space<hbm>>
        %dma_wait3A_368 = tpu.memref_squeeze %dma_wait3A_367 : memref<1x10000x128xf32, #tpu.memory_space<hbm>> -> memref<10000x128xf32, #tpu.memory_space<hbm>>
        %dma_wait3A_369 = arith.constant 0 : i32
        %dma_wait3A_370 = arith.constant 0 : i32
        %dma_wait3A_371 = tpu.memref_slice %dma_wait3A_368[%dma_wait3A_369, %dma_wait3A_370] : memref<10000x128xf32, #tpu.memory_space<hbm>> -> memref<10000x128xf32, #tpu.memory_space<hbm>>
        tpu.wait_indirect_dma semaphore(%arg14 : memref<!tpu.dma_semaphore, #tpu.memory_space<semaphore_mem>>) src(%dma_wait3A_371 : memref<10000x128xf32, #tpu.memory_space<hbm>>) dst(%arg11 : memref<80x128xf32, #tpu.memory_space<vmem>>)
        %add3A_372 = arith.constant 4 : i32
        %add3A_373 = arith.addi %mul3A_208, %add3A_372 : i32
        %mul3A_374 = arith.constant 80 : i32
        %mul3A_375 = arith.muli %add3A_373, %mul3A_374 : i32
        %dma_start3A_376 = tpu.memref_slice %arg6[%mul3A_375] : memref<10000xi32, #tpu.memory_space<vmem>> -> memref<80xi32, #tpu.memory_space<vmem>>
        %dma_start3A_377 = arith.constant 0 : i32
        %dma_start3A_378 = arith.constant 0 : i32
        %dma_start3A_379 = tpu.memref_slice %arg2[%scan3A_110, %dma_start3A_377, %dma_start3A_378] : memref<2x10000x128xf32, #tpu.memory_space<hbm>> -> memref<1x10000x128xf32, #tpu.memory_space<hbm>>
        %dma_start3A_380 = tpu.memref_squeeze %dma_start3A_379 : memref<1x10000x128xf32, #tpu.memory_space<hbm>> -> memref<10000x128xf32, #tpu.memory_space<hbm>>
        %dma_start3A_381 = arith.constant 0 : i32
        %dma_start3A_382 = arith.constant 0 : i32
        %dma_start3A_383 = tpu.memref_slice %dma_start3A_380[%dma_start3A_381, %dma_start3A_382] : memref<10000x128xf32, #tpu.memory_space<hbm>> -> memref<10000x128xf32, #tpu.memory_space<hbm>>
        tpu.enqueue_indirect_dma source(%dma_start3A_383 : memref<10000x128xf32, #tpu.memory_space<hbm>>) target(%arg10 : memref<80x128xf32, #tpu.memory_space<vmem>>) offsets(%dma_start3A_376 : memref<80xi32, #tpu.memory_space<vmem>>) semaphore(%arg13 : memref<!tpu.dma_semaphore, #tpu.memory_space<semaphore_mem>>)
        %add3A_384 = arith.constant 2 : i32
        %add3A_385 = arith.addi %mul3A_208, %add3A_384 : i32
        %mul3A_386 = arith.constant 80 : i32
        %mul3A_387 = arith.muli %add3A_385, %mul3A_386 : i32
        %add3A_388 = arith.constant 0 : i32
        %add3A_389 = arith.addi %mul3A_387, %add3A_388 : i32
        %get3A_390 = arith.index_cast %add3A_389 : i32 to index
        %get3A_391 = tpu.vector_load %arg7[%get3A_390] {strides = array<i32>} : memref<10000xi32, #tpu.memory_space<vmem>>, vector<16xi32>,
        %get3A_392 = vector.shape_cast %get3A_391 : vector<16xi32> to vector<16xi32>
        %swap3A_393 = arith.constant 0 : index
        %swap3A_394 = tpu.vector_load %arg8[%swap3A_393] {strides = array<i32>} : memref<80xi32, #tpu.memory_space<vmem>>, vector<16xi32>,
        %swap3A_395 = vector.shape_cast %swap3A_394 : vector<16xi32> to vector<16xi32>
        %swap3A_396 = vector.shape_cast %get3A_392 : vector<16xi32> to vector<16xi32>
        tpu.vector_store %arg8[%swap3A_393], %swap3A_396 {strides = array<i32>} : memref<80xi32, #tpu.memory_space<vmem>>, vector<16xi32>,
        %mul3A_397 = arith.constant 80 : i32
        %mul3A_398 = arith.muli %add3A_385, %mul3A_397 : i32
        %add3A_399 = arith.constant 16 : i32
        %add3A_400 = arith.addi %mul3A_398, %add3A_399 : i32
        %get3A_401 = arith.index_cast %add3A_400 : i32 to index
        %get3A_402 = tpu.vector_load %arg7[%get3A_401] {strides = array<i32>} : memref<10000xi32, #tpu.memory_space<vmem>>, vector<16xi32>,
        %get3A_403 = vector.shape_cast %get3A_402 : vector<16xi32> to vector<16xi32>
        %swap3A_404 = arith.constant 16 : index
        %swap3A_405 = tpu.vector_load %arg8[%swap3A_404] {strides = array<i32>} : memref<80xi32, #tpu.memory_space<vmem>>, vector<16xi32>,
        %swap3A_406 = vector.shape_cast %swap3A_405 : vector<16xi32> to vector<16xi32>
        %swap3A_407 = vector.shape_cast %get3A_403 : vector<16xi32> to vector<16xi32>
        tpu.vector_store %arg8[%swap3A_404], %swap3A_407 {strides = array<i32>} : memref<80xi32, #tpu.memory_space<vmem>>, vector<16xi32>,
        %mul3A_408 = arith.constant 80 : i32
        %mul3A_409 = arith.muli %add3A_385, %mul3A_408 : i32
        %add3A_410 = arith.constant 32 : i32
        %add3A_411 = arith.addi %mul3A_409, %add3A_410 : i32
        %get3A_412 = arith.index_cast %add3A_411 : i32 to index
        %get3A_413 = tpu.vector_load %arg7[%get3A_412] {strides = array<i32>} : memref<10000xi32, #tpu.memory_space<vmem>>, vector<16xi32>,
        %get3A_414 = vector.shape_cast %get3A_413 : vector<16xi32> to vector<16xi32>
        %swap3A_415 = arith.constant 32 : index
        %swap3A_416 = tpu.vector_load %arg8[%swap3A_415] {strides = array<i32>} : memref<80xi32, #tpu.memory_space<vmem>>, vector<16xi32>,
        %swap3A_417 = vector.shape_cast %swap3A_416 : vector<16xi32> to vector<16xi32>
        %swap3A_418 = vector.shape_cast %get3A_414 : vector<16xi32> to vector<16xi32>
        tpu.vector_store %arg8[%swap3A_415], %swap3A_418 {strides = array<i32>} : memref<80xi32, #tpu.memory_space<vmem>>, vector<16xi32>,
        %mul3A_419 = arith.constant 80 : i32
        %mul3A_420 = arith.muli %add3A_385, %mul3A_419 : i32
        %add3A_421 = arith.constant 48 : i32
        %add3A_422 = arith.addi %mul3A_420, %add3A_421 : i32
        %get3A_423 = arith.index_cast %add3A_422 : i32 to index
        %get3A_424 = tpu.vector_load %arg7[%get3A_423] {strides = array<i32>} : memref<10000xi32, #tpu.memory_space<vmem>>, vector<16xi32>,
        %get3A_425 = vector.shape_cast %get3A_424 : vector<16xi32> to vector<16xi32>
        %swap3A_426 = arith.constant 48 : index
        %swap3A_427 = tpu.vector_load %arg8[%swap3A_426] {strides = array<i32>} : memref<80xi32, #tpu.memory_space<vmem>>, vector<16xi32>,
        %swap3A_428 = vector.shape_cast %swap3A_427 : vector<16xi32> to vector<16xi32>
        %swap3A_429 = vector.shape_cast %get3A_425 : vector<16xi32> to vector<16xi32>
        tpu.vector_store %arg8[%swap3A_426], %swap3A_429 {strides = array<i32>} : memref<80xi32, #tpu.memory_space<vmem>>, vector<16xi32>,
        %mul3A_430 = arith.constant 80 : i32
        %mul3A_431 = arith.muli %add3A_385, %mul3A_430 : i32
        %add3A_432 = arith.constant 64 : i32
        %add3A_433 = arith.addi %mul3A_431, %add3A_432 : i32
        %get3A_434 = arith.index_cast %add3A_433 : i32 to index
        %get3A_435 = tpu.vector_load %arg7[%get3A_434] {strides = array<i32>} : memref<10000xi32, #tpu.memory_space<vmem>>, vector<16xi32>,
        %get3A_436 = vector.shape_cast %get3A_435 : vector<16xi32> to vector<16xi32>
        %swap3A_437 = arith.constant 64 : index
        %swap3A_438 = tpu.vector_load %arg8[%swap3A_437] {strides = array<i32>} : memref<80xi32, #tpu.memory_space<vmem>>, vector<16xi32>,
        %swap3A_439 = vector.shape_cast %swap3A_438 : vector<16xi32> to vector<16xi32>
        %swap3A_440 = vector.shape_cast %get3A_436 : vector<16xi32> to vector<16xi32>
        tpu.vector_store %arg8[%swap3A_437], %swap3A_440 {strides = array<i32>} : memref<80xi32, #tpu.memory_space<vmem>>, vector<16xi32>,
        "tpu.region"() ({
          %run_scoped3A = tpu.sem_alloc : memref<!tpu.dma_semaphore, #tpu.memory_space<semaphore_mem>>
          %dma_start3A_441 = arith.constant 0 : i32
          %dma_start3A_442 = arith.constant 0 : i32
          %dma_start3A_443 = tpu.memref_slice %arg5[%dma_start3A_441, %dma_start3A_442] : memref<10000x128xf32, #tpu.memory_space<vmem_shared>> -> memref<10000x128xf32, #tpu.memory_space<vmem_shared>>
          tpu.enqueue_indirect_dma source(%arg11 : memref<80x128xf32, #tpu.memory_space<vmem>>) target(%dma_start3A_443 : memref<10000x128xf32, #tpu.memory_space<vmem_shared>>) offsets(%arg8 : memref<80xi32, #tpu.memory_space<vmem>>) semaphore(%run_scoped3A : memref<!tpu.dma_semaphore, #tpu.memory_space<semaphore_mem>>) {add = true}
          %dma_wait3A_444 = arith.constant 0 : i32
          %dma_wait3A_445 = arith.constant 0 : i32
          %dma_wait3A_446 = tpu.memref_slice %arg5[%dma_wait3A_444, %dma_wait3A_445] : memref<10000x128xf32, #tpu.memory_space<vmem_shared>> -> memref<10000x128xf32, #tpu.memory_space<vmem_shared>>
          tpu.wait_indirect_dma semaphore(%run_scoped3A : memref<!tpu.dma_semaphore, #tpu.memory_space<semaphore_mem>>) src(%arg11 : memref<80x128xf32, #tpu.memory_space<vmem>>) dst(%dma_wait3A_446 : memref<10000x128xf32, #tpu.memory_space<vmem_shared>>)
          tpu.yield
        }) : () -> ()
      }
      %scan3A_115 = arith.constant 41 : i32
      %dma_wait3A_116 = arith.constant 1 : i32
      %dma_wait3A_117 = arith.constant 0 : i32
      %dma_wait3A_118 = tpu.memref_slice %arg6[%dma_wait3A_117] : memref<10000xi32, #tpu.memory_space<vmem>> -> memref<80xi32, #tpu.memory_space<vmem>>
      %dma_wait3A_119 = arith.constant 0 : i32
      %dma_wait3A_120 = arith.constant 0 : i32
      %dma_wait3A_121 = tpu.memref_slice %arg2[%dma_wait3A_116, %dma_wait3A_119, %dma_wait3A_120] : memref<2x10000x128xf32, #tpu.memory_space<hbm>> -> memref<1x10000x128xf32, #tpu.memory_space<hbm>>
      %dma_wait3A_122 = tpu.memref_squeeze %dma_wait3A_121 : memref<1x10000x128xf32, #tpu.memory_space<hbm>> -> memref<10000x128xf32, #tpu.memory_space<hbm>>
      %dma_wait3A_123 = arith.constant 0 : i32
      %dma_wait3A_124 = arith.constant 0 : i32
      %dma_wait3A_125 = tpu.memref_slice %dma_wait3A_122[%dma_wait3A_123, %dma_wait3A_124] : memref<10000x128xf32, #tpu.memory_space<hbm>> -> memref<10000x128xf32, #tpu.memory_space<hbm>>
      tpu.wait_indirect_dma semaphore(%arg12 : memref<!tpu.dma_semaphore, #tpu.memory_space<semaphore_mem>>) src(%dma_wait3A_125 : memref<10000x128xf32, #tpu.memory_space<hbm>>) dst(%arg9 : memref<80x128xf32, #tpu.memory_space<vmem>>)
      %get3A = arith.constant 9840 : index
      %get3A_126 = tpu.vector_load %arg7[%get3A] {strides = array<i32>} : memref<10000xi32, #tpu.memory_space<vmem>>, vector<16xi32>,
      %get3A_127 = vector.shape_cast %get3A_126 : vector<16xi32> to vector<16xi32>
      %swap3A = arith.constant 0 : index
      %swap3A_128 = tpu.vector_load %arg8[%swap3A] {strides = array<i32>} : memref<80xi32, #tpu.memory_space<vmem>>, vector<16xi32>,
      %swap3A_129 = vector.shape_cast %swap3A_128 : vector<16xi32> to vector<16xi32>
      %swap3A_130 = vector.shape_cast %get3A_127 : vector<16xi32> to vector<16xi32>
      tpu.vector_store %arg8[%swap3A], %swap3A_130 {strides = array<i32>} : memref<80xi32, #tpu.memory_space<vmem>>, vector<16xi32>,
      %get3A_131 = arith.constant 9856 : index
      %get3A_132 = tpu.vector_load %arg7[%get3A_131] {strides = array<i32>} : memref<10000xi32, #tpu.memory_space<vmem>>, vector<16xi32>,
      %get3A_133 = vector.shape_cast %get3A_132 : vector<16xi32> to vector<16xi32>
      %swap3A_134 = arith.constant 16 : index
      %swap3A_135 = tpu.vector_load %arg8[%swap3A_134] {strides = array<i32>} : memref<80xi32, #tpu.memory_space<vmem>>, vector<16xi32>,
      %swap3A_136 = vector.shape_cast %swap3A_135 : vector<16xi32> to vector<16xi32>
      %swap3A_137 = vector.shape_cast %get3A_133 : vector<16xi32> to vector<16xi32>
      tpu.vector_store %arg8[%swap3A_134], %swap3A_137 {strides = array<i32>} : memref<80xi32, #tpu.memory_space<vmem>>, vector<16xi32>,
      %get3A_138 = arith.constant 9872 : index
      %get3A_139 = tpu.vector_load %arg7[%get3A_138] {strides = array<i32>} : memref<10000xi32, #tpu.memory_space<vmem>>, vector<16xi32>,
      %get3A_140 = vector.shape_cast %get3A_139 : vector<16xi32> to vector<16xi32>
      %swap3A_141 = arith.constant 32 : index
      %swap3A_142 = tpu.vector_load %arg8[%swap3A_141] {strides = array<i32>} : memref<80xi32, #tpu.memory_space<vmem>>, vector<16xi32>,
      %swap3A_143 = vector.shape_cast %swap3A_142 : vector<16xi32> to vector<16xi32>
      %swap3A_144 = vector.shape_cast %get3A_140 : vector<16xi32> to vector<16xi32>
      tpu.vector_store %arg8[%swap3A_141], %swap3A_144 {strides = array<i32>} : memref<80xi32, #tpu.memory_space<vmem>>, vector<16xi32>,
      %get3A_145 = arith.constant 9888 : index
      %get3A_146 = tpu.vector_load %arg7[%get3A_145] {strides = array<i32>} : memref<10000xi32, #tpu.memory_space<vmem>>, vector<16xi32>,
      %get3A_147 = vector.shape_cast %get3A_146 : vector<16xi32> to vector<16xi32>
      %swap3A_148 = arith.constant 48 : index
      %swap3A_149 = tpu.vector_load %arg8[%swap3A_148] {strides = array<i32>} : memref<80xi32, #tpu.memory_space<vmem>>, vector<16xi32>,
      %swap3A_150 = vector.shape_cast %swap3A_149 : vector<16xi32> to vector<16xi32>
      %swap3A_151 = vector.shape_cast %get3A_147 : vector<16xi32> to vector<16xi32>
      tpu.vector_store %arg8[%swap3A_148], %swap3A_151 {strides = array<i32>} : memref<80xi32, #tpu.memory_space<vmem>>, vector<16xi32>,
      %get3A_152 = arith.constant 9904 : index
      %get3A_153 = tpu.vector_load %arg7[%get3A_152] {strides = array<i32>} : memref<10000xi32, #tpu.memory_space<vmem>>, vector<16xi32>,
      %get3A_154 = vector.shape_cast %get3A_153 : vector<16xi32> to vector<16xi32>
      %swap3A_155 = arith.constant 64 : index
      %swap3A_156 = tpu.vector_load %arg8[%swap3A_155] {strides = array<i32>} : memref<80xi32, #tpu.memory_space<vmem>>, vector<16xi32>,
      %swap3A_157 = vector.shape_cast %swap3A_156 : vector<16xi32> to vector<16xi32>
      %swap3A_158 = vector.shape_cast %get3A_154 : vector<16xi32> to vector<16xi32>
      tpu.vector_store %arg8[%swap3A_155], %swap3A_158 {strides = array<i32>} : memref<80xi32, #tpu.memory_space<vmem>>, vector<16xi32>,
      "tpu.region"() ({
        %run_scoped3A = tpu.sem_alloc : memref<!tpu.dma_semaphore, #tpu.memory_space<semaphore_mem>>
        %dma_start3A_204 = arith.constant 0 : i32
        %dma_start3A_205 = arith.constant 0 : i32
        %dma_start3A_206 = tpu.memref_slice %arg5[%dma_start3A_204, %dma_start3A_205] : memref<10000x128xf32, #tpu.memory_space<vmem_shared>> -> memref<10000x128xf32, #tpu.memory_space<vmem_shared>>
        tpu.enqueue_indirect_dma source(%arg9 : memref<80x128xf32, #tpu.memory_space<vmem>>) target(%dma_start3A_206 : memref<10000x128xf32, #tpu.memory_space<vmem_shared>>) offsets(%arg8 : memref<80xi32, #tpu.memory_space<vmem>>) semaphore(%run_scoped3A : memref<!tpu.dma_semaphore, #tpu.memory_space<semaphore_mem>>) {add = true}
        %dma_wait3A_207 = arith.constant 0 : i32
        %dma_wait3A_208 = arith.constant 0 : i32
        %dma_wait3A_209 = tpu.memref_slice %arg5[%dma_wait3A_207, %dma_wait3A_208] : memref<10000x128xf32, #tpu.memory_space<vmem_shared>> -> memref<10000x128xf32, #tpu.memory_space<vmem_shared>>
        tpu.wait_indirect_dma semaphore(%run_scoped3A : memref<!tpu.dma_semaphore, #tpu.memory_space<semaphore_mem>>) src(%arg9 : memref<80x128xf32, #tpu.memory_space<vmem>>) dst(%dma_wait3A_209 : memref<10000x128xf32, #tpu.memory_space<vmem_shared>>)
        tpu.yield
      }) : () -> ()
      %dma_wait3A_159 = arith.constant 1 : i32
      %dma_wait3A_160 = arith.constant 0 : i32
      %dma_wait3A_161 = tpu.memref_slice %arg6[%dma_wait3A_160] : memref<10000xi32, #tpu.memory_space<vmem>> -> memref<80xi32, #tpu.memory_space<vmem>>
      %dma_wait3A_162 = arith.constant 0 : i32
      %dma_wait3A_163 = arith.constant 0 : i32
      %dma_wait3A_164 = tpu.memref_slice %arg2[%dma_wait3A_159, %dma_wait3A_162, %dma_wait3A_163] : memref<2x10000x128xf32, #tpu.memory_space<hbm>> -> memref<1x10000x128xf32, #tpu.memory_space<hbm>>
      %dma_wait3A_165 = tpu.memref_squeeze %dma_wait3A_164 : memref<1x10000x128xf32, #tpu.memory_space<hbm>> -> memref<10000x128xf32, #tpu.memory_space<hbm>>
      %dma_wait3A_166 = arith.constant 0 : i32
      %dma_wait3A_167 = arith.constant 0 : i32
      %dma_wait3A_168 = tpu.memref_slice %dma_wait3A_165[%dma_wait3A_166, %dma_wait3A_167] : memref<10000x128xf32, #tpu.memory_space<hbm>> -> memref<10000x128xf32, #tpu.memory_space<hbm>>
      tpu.wait_indirect_dma semaphore(%arg13 : memref<!tpu.dma_semaphore, #tpu.memory_space<semaphore_mem>>) src(%dma_wait3A_168 : memref<10000x128xf32, #tpu.memory_space<hbm>>) dst(%arg10 : memref<80x128xf32, #tpu.memory_space<vmem>>)
      %get3A_169 = arith.constant 9920 : index
      %get3A_170 = tpu.vector_load %arg7[%get3A_169] {strides = array<i32>} : memref<10000xi32, #tpu.memory_space<vmem>>, vector<16xi32>,
      %get3A_171 = vector.shape_cast %get3A_170 : vector<16xi32> to vector<16xi32>
      %swap3A_172 = arith.constant 0 : index
      %swap3A_173 = tpu.vector_load %arg8[%swap3A_172] {strides = array<i32>} : memref<80xi32, #tpu.memory_space<vmem>>, vector<16xi32>,
      %swap3A_174 = vector.shape_cast %swap3A_173 : vector<16xi32> to vector<16xi32>
      %swap3A_175 = vector.shape_cast %get3A_171 : vector<16xi32> to vector<16xi32>
      tpu.vector_store %arg8[%swap3A_172], %swap3A_175 {strides = array<i32>} : memref<80xi32, #tpu.memory_space<vmem>>, vector<16xi32>,
      %get3A_176 = arith.constant 9936 : index
      %get3A_177 = tpu.vector_load %arg7[%get3A_176] {strides = array<i32>} : memref<10000xi32, #tpu.memory_space<vmem>>, vector<16xi32>,
      %get3A_178 = vector.shape_cast %get3A_177 : vector<16xi32> to vector<16xi32>
      %swap3A_179 = arith.constant 16 : index
      %swap3A_180 = tpu.vector_load %arg8[%swap3A_179] {strides = array<i32>} : memref<80xi32, #tpu.memory_space<vmem>>, vector<16xi32>,
      %swap3A_181 = vector.shape_cast %swap3A_180 : vector<16xi32> to vector<16xi32>
      %swap3A_182 = vector.shape_cast %get3A_178 : vector<16xi32> to vector<16xi32>
      tpu.vector_store %arg8[%swap3A_179], %swap3A_182 {strides = array<i32>} : memref<80xi32, #tpu.memory_space<vmem>>, vector<16xi32>,
      %get3A_183 = arith.constant 9952 : index
      %get3A_184 = tpu.vector_load %arg7[%get3A_183] {strides = array<i32>} : memref<10000xi32, #tpu.memory_space<vmem>>, vector<16xi32>,
      %get3A_185 = vector.shape_cast %get3A_184 : vector<16xi32> to vector<16xi32>
      %swap3A_186 = arith.constant 32 : index
      %swap3A_187 = tpu.vector_load %arg8[%swap3A_186] {strides = array<i32>} : memref<80xi32, #tpu.memory_space<vmem>>, vector<16xi32>,
      %swap3A_188 = vector.shape_cast %swap3A_187 : vector<16xi32> to vector<16xi32>
      %swap3A_189 = vector.shape_cast %get3A_185 : vector<16xi32> to vector<16xi32>
      tpu.vector_store %arg8[%swap3A_186], %swap3A_189 {strides = array<i32>} : memref<80xi32, #tpu.memory_space<vmem>>, vector<16xi32>,
      %get3A_190 = arith.constant 9968 : index
      %get3A_191 = tpu.vector_load %arg7[%get3A_190] {strides = array<i32>} : memref<10000xi32, #tpu.memory_space<vmem>>, vector<16xi32>,
      %get3A_192 = vector.shape_cast %get3A_191 : vector<16xi32> to vector<16xi32>
      %swap3A_193 = arith.constant 48 : index
      %swap3A_194 = tpu.vector_load %arg8[%swap3A_193] {strides = array<i32>} : memref<80xi32, #tpu.memory_space<vmem>>, vector<16xi32>,
      %swap3A_195 = vector.shape_cast %swap3A_194 : vector<16xi32> to vector<16xi32>
      %swap3A_196 = vector.shape_cast %get3A_192 : vector<16xi32> to vector<16xi32>
      tpu.vector_store %arg8[%swap3A_193], %swap3A_196 {strides = array<i32>} : memref<80xi32, #tpu.memory_space<vmem>>, vector<16xi32>,
      %get3A_197 = arith.constant 9984 : index
      %get3A_198 = tpu.vector_load %arg7[%get3A_197] {strides = array<i32>} : memref<10000xi32, #tpu.memory_space<vmem>>, vector<16xi32>,
      %get3A_199 = vector.shape_cast %get3A_198 : vector<16xi32> to vector<16xi32>
      %swap3A_200 = arith.constant 64 : index
      %swap3A_201 = tpu.vector_load %arg8[%swap3A_200] {strides = array<i32>} : memref<80xi32, #tpu.memory_space<vmem>>, vector<16xi32>,
      %swap3A_202 = vector.shape_cast %swap3A_201 : vector<16xi32> to vector<16xi32>
      %swap3A_203 = vector.shape_cast %get3A_199 : vector<16xi32> to vector<16xi32>
      tpu.vector_store %arg8[%swap3A_200], %swap3A_203 {strides = array<i32>} : memref<80xi32, #tpu.memory_space<vmem>>, vector<16xi32>,
      "tpu.region"() ({
        %run_scoped3A = tpu.sem_alloc : memref<!tpu.dma_semaphore, #tpu.memory_space<semaphore_mem>>
        %dma_start3A_204 = arith.constant 0 : i32
        %dma_start3A_205 = arith.constant 0 : i32
        %dma_start3A_206 = tpu.memref_slice %arg5[%dma_start3A_204, %dma_start3A_205] : memref<10000x128xf32, #tpu.memory_space<vmem_shared>> -> memref<10000x128xf32, #tpu.memory_space<vmem_shared>>
        tpu.enqueue_indirect_dma source(%arg10 : memref<80x128xf32, #tpu.memory_space<vmem>>) target(%dma_start3A_206 : memref<10000x128xf32, #tpu.memory_space<vmem_shared>>) offsets(%arg8 : memref<80xi32, #tpu.memory_space<vmem>>) semaphore(%run_scoped3A : memref<!tpu.dma_semaphore, #tpu.memory_space<semaphore_mem>>) {add = true}
        %dma_wait3A_207 = arith.constant 0 : i32
        %dma_wait3A_208 = arith.constant 0 : i32
        %dma_wait3A_209 = tpu.memref_slice %arg5[%dma_wait3A_207, %dma_wait3A_208] : memref<10000x128xf32, #tpu.memory_space<vmem_shared>> -> memref<10000x128xf32, #tpu.memory_space<vmem_shared>>
        tpu.wait_indirect_dma semaphore(%run_scoped3A : memref<!tpu.dma_semaphore, #tpu.memory_space<semaphore_mem>>) src(%arg10 : memref<80x128xf32, #tpu.memory_space<vmem>>) dst(%dma_wait3A_209 : memref<10000x128xf32, #tpu.memory_space<vmem_shared>>)
        tpu.yield
      }) : () -> ()
    } else {
    }
    %barrier3A = arith.constant 0 : index
    tpu.barrier barrier_id(%barrier3A)
    %eq3A_79 = arith.constant 0 : i32
    %eq3A_80 = arith.cmpi eq, %arg0, %eq3A_79 : i32
    %convert_element_type3A_81 = arith.extui %eq3A_80 : i1 to i32
    %cond3A_82 = arith.constant 0 : i32
    %cond3A_83 = arith.cmpi ne, %convert_element_type3A_81, %cond3A_82 : i32
    scf.if %cond3A_83 {
      %lt3A_89 = arith.constant 15 : i32
      %lt3A_90 = arith.cmpi slt, %arg1, %lt3A_89 : i32
      %convert_element_type3A_91 = arith.extui %lt3A_90 : i1 to i32
      %cond3A_92 = arith.constant 0 : i32
      %cond3A_93 = arith.constant 0 : i32
      %cond3A_94 = arith.cmpi ne, %convert_element_type3A_91, %cond3A_93 : i32
      scf.if %cond3A_94 {
        %mul3A = arith.constant 640 : i32
        %mul3A_101 = arith.muli %arg1, %mul3A : i32
        "tpu.region"() ({
          %run_scoped3A = tpu.sem_alloc : memref<!tpu.dma_semaphore, #tpu.memory_space<semaphore_mem>>
          %dma_start3A_102 = arith.constant 0 : i32
          %dma_start3A_103 = arith.constant 0 : i32
          %dma_start3A_104 = tpu.memref_slice %arg4[%cond3A_92, %dma_start3A_102, %dma_start3A_103] : memref<2x10000x128xf32, #tpu.memory_space<hbm>> -> memref<1x10000x128xf32, #tpu.memory_space<hbm>>
          %dma_start3A_105 = tpu.memref_squeeze %dma_start3A_104 : memref<1x10000x128xf32, #tpu.memory_space<hbm>> -> memref<10000x128xf32, #tpu.memory_space<hbm>>
          %dma_start3A_106 = arith.constant 0 : i32
          %dma_start3A_107 = tpu.memref_slice %dma_start3A_105[%mul3A_101, %dma_start3A_106] : memref<10000x128xf32, #tpu.memory_space<hbm>> -> memref<640x128xf32, #tpu.memory_space<hbm>>
          %dma_start3A_108 = arith.constant 0 : i32
          %dma_start3A_109 = tpu.memref_slice %arg5[%mul3A_101, %dma_start3A_108] : memref<10000x128xf32, #tpu.memory_space<vmem_shared>> -> memref<640x128xf32, #tpu.memory_space<vmem_shared>>
          tpu.enqueue_dma source(%dma_start3A_109 : memref<640x128xf32, #tpu.memory_space<vmem_shared>>) target(%dma_start3A_107 : memref<640x128xf32, #tpu.memory_space<hbm>>) target_semaphore(%run_scoped3A : memref<!tpu.dma_semaphore, #tpu.memory_space<semaphore_mem>>)
          %dma_wait3A_110 = arith.constant 0 : i32
          %dma_wait3A_111 = arith.constant 0 : i32
          %dma_wait3A_112 = tpu.memref_slice %arg4[%cond3A_92, %dma_wait3A_110, %dma_wait3A_111] : memref<2x10000x128xf32, #tpu.memory_space<hbm>> -> memref<1x10000x128xf32, #tpu.memory_space<hbm>>
          %dma_wait3A_113 = tpu.memref_squeeze %dma_wait3A_112 : memref<1x10000x128xf32, #tpu.memory_space<hbm>> -> memref<10000x128xf32, #tpu.memory_space<hbm>>
          %dma_wait3A_114 = arith.constant 0 : i32
          %dma_wait3A_115 = tpu.memref_slice %dma_wait3A_113[%mul3A_101, %dma_wait3A_114] : memref<10000x128xf32, #tpu.memory_space<hbm>> -> memref<640x128xf32, #tpu.memory_space<hbm>>
          %dma_wait3A_116 = arith.constant 0 : i32
          %dma_wait3A_117 = tpu.memref_slice %arg5[%mul3A_101, %dma_wait3A_116] : memref<10000x128xf32, #tpu.memory_space<vmem_shared>> -> memref<640x128xf32, #tpu.memory_space<vmem_shared>>
          tpu.wait_dma2 semaphore(%run_scoped3A : memref<!tpu.dma_semaphore, #tpu.memory_space<semaphore_mem>>) src(%dma_wait3A_117 : memref<640x128xf32, #tpu.memory_space<vmem_shared>>) dst(%dma_wait3A_115 : memref<640x128xf32, #tpu.memory_space<hbm>>)
          tpu.yield
        }) : () -> ()
      } else {
      }
      %eq3A_95 = arith.constant 15 : i32
      %eq3A_96 = arith.cmpi eq, %arg1, %eq3A_95 : i32
      %convert_element_type3A_97 = arith.extui %eq3A_96 : i1 to i32
      %cond3A_98 = arith.constant 0 : i32
      %cond3A_99 = arith.constant 0 : i32
      %cond3A_100 = arith.cmpi ne, %convert_element_type3A_97, %cond3A_99 : i32
      scf.if %cond3A_100 {
        "tpu.region"() ({
          %run_scoped3A = tpu.sem_alloc : memref<!tpu.dma_semaphore, #tpu.memory_space<semaphore_mem>>
          %dma_start3A_101 = arith.constant 0 : i32
          %dma_start3A_102 = arith.constant 0 : i32
          %dma_start3A_103 = tpu.memref_slice %arg4[%cond3A_98, %dma_start3A_101, %dma_start3A_102] : memref<2x10000x128xf32, #tpu.memory_space<hbm>> -> memref<1x10000x128xf32, #tpu.memory_space<hbm>>
          %dma_start3A_104 = tpu.memref_squeeze %dma_start3A_103 : memref<1x10000x128xf32, #tpu.memory_space<hbm>> -> memref<10000x128xf32, #tpu.memory_space<hbm>>
          %dma_start3A_105 = arith.constant 9600 : i32
          %dma_start3A_106 = arith.constant 0 : i32
          %dma_start3A_107 = tpu.memref_slice %dma_start3A_104[%dma_start3A_105, %dma_start3A_106] : memref<10000x128xf32, #tpu.memory_space<hbm>> -> memref<400x128xf32, #tpu.memory_space<hbm>>
          %dma_start3A_108 = arith.constant 9600 : i32
          %dma_start3A_109 = arith.constant 0 : i32
          %dma_start3A_110 = tpu.memref_slice %arg5[%dma_start3A_108, %dma_start3A_109] : memref<10000x128xf32, #tpu.memory_space<vmem_shared>> -> memref<400x128xf32, #tpu.memory_space<vmem_shared>>
          tpu.enqueue_dma source(%dma_start3A_110 : memref<400x128xf32, #tpu.memory_space<vmem_shared>>) target(%dma_start3A_107 : memref<400x128xf32, #tpu.memory_space<hbm>>) target_semaphore(%run_scoped3A : memref<!tpu.dma_semaphore, #tpu.memory_space<semaphore_mem>>)
          %dma_wait3A_111 = arith.constant 0 : i32
          %dma_wait3A_112 = arith.constant 0 : i32
          %dma_wait3A_113 = tpu.memref_slice %arg4[%cond3A_98, %dma_wait3A_111, %dma_wait3A_112] : memref<2x10000x128xf32, #tpu.memory_space<hbm>> -> memref<1x10000x128xf32, #tpu.memory_space<hbm>>
          %dma_wait3A_114 = tpu.memref_squeeze %dma_wait3A_113 : memref<1x10000x128xf32, #tpu.memory_space<hbm>> -> memref<10000x128xf32, #tpu.memory_space<hbm>>
          %dma_wait3A_115 = arith.constant 9600 : i32
          %dma_wait3A_116 = arith.constant 0 : i32
          %dma_wait3A_117 = tpu.memref_slice %dma_wait3A_114[%dma_wait3A_115, %dma_wait3A_116] : memref<10000x128xf32, #tpu.memory_space<hbm>> -> memref<400x128xf32, #tpu.memory_space<hbm>>
          %dma_wait3A_118 = arith.constant 9600 : i32
          %dma_wait3A_119 = arith.constant 0 : i32
          %dma_wait3A_120 = tpu.memref_slice %arg5[%dma_wait3A_118, %dma_wait3A_119] : memref<10000x128xf32, #tpu.memory_space<vmem_shared>> -> memref<400x128xf32, #tpu.memory_space<vmem_shared>>
          tpu.wait_dma2 semaphore(%run_scoped3A : memref<!tpu.dma_semaphore, #tpu.memory_space<semaphore_mem>>) src(%dma_wait3A_120 : memref<400x128xf32, #tpu.memory_space<vmem_shared>>) dst(%dma_wait3A_117 : memref<400x128xf32, #tpu.memory_space<hbm>>)
          tpu.yield
        }) : () -> ()
      } else {
      }
    } else {
    }
    %eq3A_84 = arith.constant 1 : i32
    %eq3A_85 = arith.cmpi eq, %arg0, %eq3A_84 : i32
    %convert_element_type3A_86 = arith.extui %eq3A_85 : i1 to i32
    %cond3A_87 = arith.constant 0 : i32
    %cond3A_88 = arith.cmpi ne, %convert_element_type3A_86, %cond3A_87 : i32
    scf.if %cond3A_88 {
      %lt3A_89 = arith.constant 15 : i32
      %lt3A_90 = arith.cmpi slt, %arg1, %lt3A_89 : i32
      %convert_element_type3A_91 = arith.extui %lt3A_90 : i1 to i32
      %cond3A_92 = arith.constant 1 : i32
      %cond3A_93 = arith.constant 0 : i32
      %cond3A_94 = arith.cmpi ne, %convert_element_type3A_91, %cond3A_93 : i32
      scf.if %cond3A_94 {
        %mul3A = arith.constant 640 : i32
        %mul3A_101 = arith.muli %arg1, %mul3A : i32
        "tpu.region"() ({
          %run_scoped3A = tpu.sem_alloc : memref<!tpu.dma_semaphore, #tpu.memory_space<semaphore_mem>>
          %dma_start3A_102 = arith.constant 0 : i32
          %dma_start3A_103 = arith.constant 0 : i32
          %dma_start3A_104 = tpu.memref_slice %arg4[%cond3A_92, %dma_start3A_102, %dma_start3A_103] : memref<2x10000x128xf32, #tpu.memory_space<hbm>> -> memref<1x10000x128xf32, #tpu.memory_space<hbm>>
          %dma_start3A_105 = tpu.memref_squeeze %dma_start3A_104 : memref<1x10000x128xf32, #tpu.memory_space<hbm>> -> memref<10000x128xf32, #tpu.memory_space<hbm>>
          %dma_start3A_106 = arith.constant 0 : i32
          %dma_start3A_107 = tpu.memref_slice %dma_start3A_105[%mul3A_101, %dma_start3A_106] : memref<10000x128xf32, #tpu.memory_space<hbm>> -> memref<640x128xf32, #tpu.memory_space<hbm>>
          %dma_start3A_108 = arith.constant 0 : i32
          %dma_start3A_109 = tpu.memref_slice %arg5[%mul3A_101, %dma_start3A_108] : memref<10000x128xf32, #tpu.memory_space<vmem_shared>> -> memref<640x128xf32, #tpu.memory_space<vmem_shared>>
          tpu.enqueue_dma source(%dma_start3A_109 : memref<640x128xf32, #tpu.memory_space<vmem_shared>>) target(%dma_start3A_107 : memref<640x128xf32, #tpu.memory_space<hbm>>) target_semaphore(%run_scoped3A : memref<!tpu.dma_semaphore, #tpu.memory_space<semaphore_mem>>)
          %dma_wait3A_110 = arith.constant 0 : i32
          %dma_wait3A_111 = arith.constant 0 : i32
          %dma_wait3A_112 = tpu.memref_slice %arg4[%cond3A_92, %dma_wait3A_110, %dma_wait3A_111] : memref<2x10000x128xf32, #tpu.memory_space<hbm>> -> memref<1x10000x128xf32, #tpu.memory_space<hbm>>
          %dma_wait3A_113 = tpu.memref_squeeze %dma_wait3A_112 : memref<1x10000x128xf32, #tpu.memory_space<hbm>> -> memref<10000x128xf32, #tpu.memory_space<hbm>>
          %dma_wait3A_114 = arith.constant 0 : i32
          %dma_wait3A_115 = tpu.memref_slice %dma_wait3A_113[%mul3A_101, %dma_wait3A_114] : memref<10000x128xf32, #tpu.memory_space<hbm>> -> memref<640x128xf32, #tpu.memory_space<hbm>>
          %dma_wait3A_116 = arith.constant 0 : i32
          %dma_wait3A_117 = tpu.memref_slice %arg5[%mul3A_101, %dma_wait3A_116] : memref<10000x128xf32, #tpu.memory_space<vmem_shared>> -> memref<640x128xf32, #tpu.memory_space<vmem_shared>>
          tpu.wait_dma2 semaphore(%run_scoped3A : memref<!tpu.dma_semaphore, #tpu.memory_space<semaphore_mem>>) src(%dma_wait3A_117 : memref<640x128xf32, #tpu.memory_space<vmem_shared>>) dst(%dma_wait3A_115 : memref<640x128xf32, #tpu.memory_space<hbm>>)
          tpu.yield
        }) : () -> ()
      } else {
      }
      %eq3A_95 = arith.constant 15 : i32
      %eq3A_96 = arith.cmpi eq, %arg1, %eq3A_95 : i32
      %convert_element_type3A_97 = arith.extui %eq3A_96 : i1 to i32
      %cond3A_98 = arith.constant 1 : i32
      %cond3A_99 = arith.constant 0 : i32
      %cond3A_100 = arith.cmpi ne, %convert_element_type3A_97, %cond3A_99 : i32
      scf.if %cond3A_100 {
        "tpu.region"() ({
          %run_scoped3A = tpu.sem_alloc : memref<!tpu.dma_semaphore, #tpu.memory_space<semaphore_mem>>
          %dma_start3A_101 = arith.constant 0 : i32
          %dma_start3A_102 = arith.constant 0 : i32
          %dma_start3A_103 = tpu.memref_slice %arg4[%cond3A_98, %dma_start3A_101, %dma_start3A_102] : memref<2x10000x128xf32, #tpu.memory_space<hbm>> -> memref<1x10000x128xf32, #tpu.memory_space<hbm>>
          %dma_start3A_104 = tpu.memref_squeeze %dma_start3A_103 : memref<1x10000x128xf32, #tpu.memory_space<hbm>> -> memref<10000x128xf32, #tpu.memory_space<hbm>>
          %dma_start3A_105 = arith.constant 9600 : i32
          %dma_start3A_106 = arith.constant 0 : i32
          %dma_start3A_107 = tpu.memref_slice %dma_start3A_104[%dma_start3A_105, %dma_start3A_106] : memref<10000x128xf32, #tpu.memory_space<hbm>> -> memref<400x128xf32, #tpu.memory_space<hbm>>
          %dma_start3A_108 = arith.constant 9600 : i32
          %dma_start3A_109 = arith.constant 0 : i32
          %dma_start3A_110 = tpu.memref_slice %arg5[%dma_start3A_108, %dma_start3A_109] : memref<10000x128xf32, #tpu.memory_space<vmem_shared>> -> memref<400x128xf32, #tpu.memory_space<vmem_shared>>
          tpu.enqueue_dma source(%dma_start3A_110 : memref<400x128xf32, #tpu.memory_space<vmem_shared>>) target(%dma_start3A_107 : memref<400x128xf32, #tpu.memory_space<hbm>>) target_semaphore(%run_scoped3A : memref<!tpu.dma_semaphore, #tpu.memory_space<semaphore_mem>>)
          %dma_wait3A_111 = arith.constant 0 : i32
          %dma_wait3A_112 = arith.constant 0 : i32
          %dma_wait3A_113 = tpu.memref_slice %arg4[%cond3A_98, %dma_wait3A_111, %dma_wait3A_112] : memref<2x10000x128xf32, #tpu.memory_space<hbm>> -> memref<1x10000x128xf32, #tpu.memory_space<hbm>>
          %dma_wait3A_114 = tpu.memref_squeeze %dma_wait3A_113 : memref<1x10000x128xf32, #tpu.memory_space<hbm>> -> memref<10000x128xf32, #tpu.memory_space<hbm>>
          %dma_wait3A_115 = arith.constant 9600 : i32
          %dma_wait3A_116 = arith.constant 0 : i32
          %dma_wait3A_117 = tpu.memref_slice %dma_wait3A_114[%dma_wait3A_115, %dma_wait3A_116] : memref<10000x128xf32, #tpu.memory_space<hbm>> -> memref<400x128xf32, #tpu.memory_space<hbm>>
          %dma_wait3A_118 = arith.constant 9600 : i32
          %dma_wait3A_119 = arith.constant 0 : i32
          %dma_wait3A_120 = tpu.memref_slice %arg5[%dma_wait3A_118, %dma_wait3A_119] : memref<10000x128xf32, #tpu.memory_space<vmem_shared>> -> memref<400x128xf32, #tpu.memory_space<vmem_shared>>
          tpu.wait_dma2 semaphore(%run_scoped3A : memref<!tpu.dma_semaphore, #tpu.memory_space<semaphore_mem>>) src(%dma_wait3A_120 : memref<400x128xf32, #tpu.memory_space<vmem_shared>>) dst(%dma_wait3A_117 : memref<400x128xf32, #tpu.memory_space<hbm>>)
          tpu.yield
        }) : () -> ()
      } else {
      }
    } else {
    }
    return
  }
}

module attributes {stable_mosaic.version = 14 : i64} {
  func.func @_mm_body(%arg0: i32, %arg1: memref<1000x256xf32, #tpu.memory_space<vmem>>, %arg2: memref<1000x1xf32, #tpu.memory_space<vmem>>, %arg3: memref<256x256xf32, #tpu.memory_space<vmem>>, %arg4: memref<2x1000x128xf32, #tpu.memory_space<vmem>>) attributes {dimension_semantics = [#tpu.dimension_semantics<arbitrary>], iteration_bounds = array<i64: 10>, scalar_prefetch = 0 : i64, scratch_operands = 0 : i64, tpu.core_type = #tpu.core_type<tc>, window_params = [{transform_indices = @transform_0, window_bounds = array<i64: 1000, 256>}, {transform_indices = @transform_1, window_bounds = array<i64: 1000, 1>}, {pipeline_mode = #tpu.pipeline_mode<synchronous>, transform_indices = @transform_2, window_bounds = array<i64: 256, 256>}, {transform_indices = @transform_3, window_bounds = array<i64: 2, 1000, 128>}]} {
    %get3A = arith.constant 0 : index
    %get3A_0 = arith.constant 0 : index
    %get3A_1 = vector.load %arg1[%get3A, %get3A_0] : memref<1000x256xf32, #tpu.memory_space<vmem>>, vector<1000x256xf32>
    %get3A_2 = arith.constant 0 : index
    %get3A_3 = arith.constant 0 : index
    %get3A_4 = vector.load %arg2[%get3A_2, %get3A_3] : memref<1000x1xf32, #tpu.memory_space<vmem>>, vector<1000x1xf32>
    %mul3A = vector.broadcast %get3A_4 : vector<1000x1xf32> to vector<1000x256xf32>
    %mul3A_5 = arith.mulf %get3A_1, %mul3A : vector<1000x256xf32>
    %get3A_6 = arith.constant 0 : index
    %get3A_7 = arith.constant 0 : index
    %get3A_8 = vector.load %arg3[%get3A_6, %get3A_7] : memref<256x256xf32, #tpu.memory_space<vmem>>, vector<256x256xf32>
    %dot_general3A = arith.constant dense<0.000000e+00> : vector<1000x256xf32>
    %dot_general3A_9 = tpu.matmul %mul3A_5, %get3A_8, %dot_general3A {dimension_numbers = #tpu.dot_dimension_numbers<[1], [0], [0], [1], [0, 0, 1, 1], [], []>, transpose_lhs_hint = false} : vector<1000x256xf32>, vector<256x256xf32>, vector<1000x256xf32> -> vector<1000x256xf32>
    %slice3A = vector.extract_strided_slice %dot_general3A_9 {offsets = [0, 0], sizes = [1000, 128], strides = [1, 1]} : vector<1000x256xf32> to vector<1000x128xf32>
    %swap3A = arith.constant 0 : index
    %swap3A_10 = arith.constant 0 : index
    %swap3A_11 = arith.constant 0 : index
    %swap3A_12 = vector.load %arg4[%swap3A, %swap3A_10, %swap3A_11] : memref<2x1000x128xf32, #tpu.memory_space<vmem>>, vector<1x1000x128xf32>
    %swap3A_13 = vector.shape_cast %swap3A_12 : vector<1x1000x128xf32> to vector<1000x128xf32>
    %swap3A_14 = vector.shape_cast %slice3A : vector<1000x128xf32> to vector<1x1000x128xf32>
    tpu.vector_store %arg4[%swap3A, %swap3A_10, %swap3A_11], %swap3A_14 {strides = array<i32>} : memref<2x1000x128xf32, #tpu.memory_space<vmem>>, vector<1x1000x128xf32>,
    %slice3A_15 = vector.extract_strided_slice %dot_general3A_9 {offsets = [0, 128], sizes = [1000, 128], strides = [1, 1]} : vector<1000x256xf32> to vector<1000x128xf32>
    %swap3A_16 = arith.constant 1 : index
    %swap3A_17 = arith.constant 0 : index
    %swap3A_18 = arith.constant 0 : index
    %swap3A_19 = vector.load %arg4[%swap3A_16, %swap3A_17, %swap3A_18] : memref<2x1000x128xf32, #tpu.memory_space<vmem>>, vector<1x1000x128xf32>
    %swap3A_20 = vector.shape_cast %swap3A_19 : vector<1x1000x128xf32> to vector<1000x128xf32>
    %swap3A_21 = vector.shape_cast %slice3A_15 : vector<1000x128xf32> to vector<1x1000x128xf32>
    tpu.vector_store %arg4[%swap3A_16, %swap3A_17, %swap3A_18], %swap3A_21 {strides = array<i32>} : memref<2x1000x128xf32, #tpu.memory_space<vmem>>, vector<1x1000x128xf32>,
    return
  }
  func.func @transform_0(%arg0: i32) -> (i32, i32) {
    %c0_i32 = arith.constant 0 : i32
    %c0_i32_0 = arith.constant 0 : i32
    return %arg0, %c0_i32 : i32, i32
  }
  func.func @transform_1(%arg0: i32) -> (i32, i32) {
    %c0_i32 = arith.constant 0 : i32
    %c0_i32_0 = arith.constant 0 : i32
    return %arg0, %c0_i32 : i32, i32
  }
  func.func @transform_2(%arg0: i32) -> (i32, i32) {
    %c0_i32 = arith.constant 0 : i32
    %c0_i32_0 = arith.constant 0 : i32
    %c0_i32_1 = arith.constant 0 : i32
    return %c0_i32, %c0_i32_0 : i32, i32
  }
  func.func @transform_3(%arg0: i32) -> (i32, i32, i32) {
    %c0_i32 = arith.constant 0 : i32
    %c0_i32_0 = arith.constant 0 : i32
    %c0_i32_1 = arith.constant 0 : i32
    return %c0_i32, %arg0, %c0_i32_0 : i32, i32, i32
  }
}

module attributes {stable_mosaic.version = 14 : i64} {
  func.func @_tail_body(%arg0: i32, %arg1: memref<2x1000x128xf32, #tpu.memory_space<vmem>>, %arg2: memref<1000x1xf32, #tpu.memory_space<vmem>>, %arg3: memref<1x256xf32, #tpu.memory_space<vmem>>, %arg4: memref<1000x256xf32, #tpu.memory_space<vmem>>) attributes {dimension_semantics = [#tpu.dimension_semantics<arbitrary>], iteration_bounds = array<i64: 10>, scalar_prefetch = 0 : i64, scratch_operands = 0 : i64, tpu.core_type = #tpu.core_type<tc>, window_params = [{transform_indices = @transform_0, window_bounds = array<i64: 2, 1000, 128>}, {transform_indices = @transform_1, window_bounds = array<i64: 1000, 1>}, {pipeline_mode = #tpu.pipeline_mode<synchronous>, transform_indices = @transform_2, window_bounds = array<i64: 1, 256>}, {transform_indices = @transform_3, window_bounds = array<i64: 1000, 256>}]} {
    %get3A = arith.constant 0 : index
    %get3A_0 = arith.constant 0 : index
    %get3A_1 = arith.constant 0 : index
    %get3A_2 = vector.load %arg1[%get3A, %get3A_0, %get3A_1] : memref<2x1000x128xf32, #tpu.memory_space<vmem>>, vector<1x1000x128xf32>
    %get3A_3 = vector.shape_cast %get3A_2 : vector<1x1000x128xf32> to vector<1000x128xf32>
    %get3A_4 = arith.constant 1 : index
    %get3A_5 = arith.constant 0 : index
    %get3A_6 = arith.constant 0 : index
    %get3A_7 = vector.load %arg1[%get3A_4, %get3A_5, %get3A_6] : memref<2x1000x128xf32, #tpu.memory_space<vmem>>, vector<1x1000x128xf32>
    %get3A_8 = vector.shape_cast %get3A_7 : vector<1x1000x128xf32> to vector<1000x128xf32>
    %concatenate3A = tpu.concatenate %get3A_3, %get3A_8 in 1 : vector<1000x128xf32>, vector<1000x128xf32> -> vector<1000x256xf32>
    %get3A_9 = arith.constant 0 : index
    %get3A_10 = arith.constant 0 : index
    %get3A_11 = vector.load %arg2[%get3A_9, %get3A_10] : memref<1000x1xf32, #tpu.memory_space<vmem>>, vector<1000x1xf32>
    %mul3A = vector.broadcast %get3A_11 : vector<1000x1xf32> to vector<1000x256xf32>
    %mul3A_12 = arith.mulf %concatenate3A, %mul3A : vector<1000x256xf32>
    %get3A_13 = arith.constant 0 : index
    %get3A_14 = arith.constant 0 : index
    %get3A_15 = vector.load %arg3[%get3A_13, %get3A_14] : memref<1x256xf32, #tpu.memory_space<vmem>>, vector<1x256xf32>
    %add3A = vector.broadcast %get3A_15 : vector<1x256xf32> to vector<1000x256xf32>
    %add3A_16 = arith.addf %mul3A_12, %add3A : vector<1000x256xf32>
    %max3A = arith.constant 0.000000e+00 : f32
    %max3A_17 = vector.broadcast %max3A : f32 to vector<1000x256xf32>
    %max3A_18 = arith.maximumf %add3A_16, %max3A_17 : vector<1000x256xf32>
    %swap3A = arith.constant 0 : index
    %swap3A_19 = arith.constant 0 : index
    %swap3A_20 = vector.load %arg4[%swap3A, %swap3A_19] : memref<1000x256xf32, #tpu.memory_space<vmem>>, vector<1000x256xf32>
    tpu.vector_store %arg4[%swap3A, %swap3A_19], %max3A_18 {strides = array<i32>} : memref<1000x256xf32, #tpu.memory_space<vmem>>, vector<1000x256xf32>,
    return
  }
  func.func @transform_0(%arg0: i32) -> (i32, i32, i32) {
    %c0_i32 = arith.constant 0 : i32
    %c0_i32_0 = arith.constant 0 : i32
    %c0_i32_1 = arith.constant 0 : i32
    return %c0_i32, %arg0, %c0_i32_0 : i32, i32, i32
  }
  func.func @transform_1(%arg0: i32) -> (i32, i32) {
    %c0_i32 = arith.constant 0 : i32
    %c0_i32_0 = arith.constant 0 : i32
    return %arg0, %c0_i32 : i32, i32
  }
  func.func @transform_2(%arg0: i32) -> (i32, i32) {
    %c0_i32 = arith.constant 0 : i32
    %c0_i32_0 = arith.constant 0 : i32
    %c0_i32_1 = arith.constant 0 : i32
    return %c0_i32, %c0_i32_0 : i32, i32
  }
  func.func @transform_3(%arg0: i32) -> (i32, i32) {
    %c0_i32 = arith.constant 0 : i32
    %c0_i32_0 = arith.constant 0 : i32
    return %arg0, %c0_i32 : i32, i32
  }
}

</mosaic_0001>

<sc_bundles>
// kernel: kernel.5.cloned.1.call-start
scs
__scs_entry_jumppad:
0x0: {  	(pc) =	sbr.rel $0x88, $3  }
0x1: {  	(tag) =	ssettag $0x0;
	lr =	simm.s32 $0x1  }
0x2: {  	[smem:$0x3F9C] =	sst lr;
	_ =	strace $0xD0000000  }
0x3: {  	_ = 	snop  }
0x4: {  	_ = 	snop  }
0x5: {  	_ = 	snop  }
0x6: {  	_ = 	snop  }
0x7: {  	_ = 	snop  }
__scs_overlays_trampoline_lowered:
0x8: {  	[smem:$0x3FAB] =	sst s0  }
0x9: {  	[smem:$0x3FAC] =	sst s1  }
0xa: {  	[smem:$0x3FAD] =	sst s2  }
0xb: {  	[smem:$0x3FAE] =	sst s3  }
0xc: {  	[smem:$0x3FAF] =	sst s4  }
0xd: {  	[smem:$0x3FB0] =	sst s5  }
0xe: {  	[smem:$0x3FB1] =	sst s6  }
0xf: {  	[smem:$0x3FB2] =	sst s7  }
0x10: {  	[smem:$0x3FB3] =	sst s8  }
0x11: {  	[smem:$0x3FB4] =	sst s9;
	s0 =	simm.s32 @!p0 $0x0  }
0x12: {  	s1 =	sld [smem:$0x3F9A];
	s0 =	simm.s32 @p0 $0x1  }
0x13: {  	[smem:$0x3FB5] =	sst s0;
	s0 =	simm.s32 @!p1 $0x0  }
0x14: {  	s2 =	sld [smem:$0x3F99];
	s0 =	simm.s32 @p1 $0x1  }
0x15: {  	[smem:$0x3FB6] =	sst s0;
	s0 =	simm.s32 @!p2 $0x0  }
0x16: {  	s3 =	sld [smem:$0x3FDB];
	s0 =	simm.s32 @p2 $0x1  }
0x17: {  	s4 =	simm.s32 $0x1BF5;
	[smem:$0x3FB8] =	sst s0  }
0x18: {  	s0 =	sld [smem:$0x3F9B];
	_ =	swait.ge [sflag:s4], $0x0  }
0x19: {  	s7 =	sld [smem:$0x3F9C]  }
0x1a: {  	s8 =	sadd.s32 $0xFFFFE003, lr  }
0x1b: {  	s9 =	sadd.s32 $0xFFFFFEF7, lr;
	s5 =	simm.s32 $0xFFFFFFFF;
	p2 =	slt.u32 s8, $0xFFFFF086  }
0x1c: {  	p1 =	slt.u32 s9, $0xF7A;
	s5 =	simm.s32 @!p2 $0x0  }
0x1d: {  	s5 =	simm.s32 @p1 $0x1;
	p0 =	seq.s32 s7, s2  }
0x1e: {  	s7 =	smul.u32 @!p0 $0xF7A, s2;
	p2 =	seq.s32 @!p0 s5, $0x0  }
0x1f: {  	s9 =	smul.u32 $0xF7A, s1;
	s8 =	simm.s32 @!p0 $0x1BF5;
	p2 =	por !p2, p0  }
0x20: {  	[sflag:s8] =	ssyncset.s32 @!p0 $0xFFFFF086;
	s6 =	sadd.s32 @!p0 s3, s7;
	s7 =	simm.s32 @!p0 $0x108  }
0x21: {  	s3 =	sadd.s32 s3, s9;
	s6 =	sadd.s32 @!p0 $0x88, s6;
	s7 =	simm.s32 @p2 $0x1082  }
0x22: {  	[simem:s7], [sflag:s8] =	dma.local @!p0 [hbm:s6], $0xF7A  }
0x23: {  	s9 =	sor.u32 $0xD0000000, s2;
	s6 =	simm.s32 $0x108;
	_ =	swait.ge @!p0 [sflag:s8], $0x0  }
0x24: {  	s3 =	sadd.s32 $0x88, s3;
	s6 =	simm.s32 @!p1 $0x1082;
	[sflag:s4] =	ssyncset.s32 $0xFFFFF086  }
0x25: {  	[simem:s6], [sflag:s4] =	dma.local [hbm:s3], $0xF7A  }
0x26: {  	[smem:$0x3F9C] =	sst s1;
	(tag) =	ssettag s2;
	_ =	strace s9  }
0x27: {  	s1 =	sld [smem:$0x3FAC]  }
0x28: {  	s2 =	sld [smem:$0x3FAD]  }
0x29: {  	s4 =	sld [smem:$0x3FAF]  }
0x2a: {  	p0 =	seq.s32 s5, $0x0;
	s5 =	sld [smem:$0x3FB0]  }
0x2b: {  	s6 =	sld [smem:$0x3FB1]  }
0x2c: {  	s7 =	sld [smem:$0x3FB2]  }
0x2d: {  	s3 =	simm.s32 $0x108;
	s8 =	sld [smem:$0x3FB3]  }
0x2e: {  	s3 =	simm.s32 @!p0 $0x1082;
	s9 =	sld [smem:$0x3FB4]  }
0x2f: {  	lr =	sadd.s32 s0, s3;
	s0 =	sld [smem:$0x3FAB]  }
0x30: {  	s3 =	sld [smem:$0x3FAE]  }
0x31: {  	[smem:$0x3FB7] =	sst s10  }
0x32: {  	s10 =	sld [smem:$0x3FB5];
	_ =	sdelay $0x3  }
0x33: {  	p0 =	seq.s32 s10, $0x1;
	s10 =	sld [smem:$0x3FB7];
	_ =	sdelay $0x3  }
0x34: {  	[smem:$0x3FB7] =	sst s10  }
0x35: {  	s10 =	sld [smem:$0x3FB6];
	_ =	sdelay $0x3  }
0x36: {  	p1 =	seq.s32 s10, $0x1;
	s10 =	sld [smem:$0x3FB7];
	_ =	sdelay $0x3  }
0x37: {  	[smem:$0x3FB7] =	sst s10  }
0x38: {  	s10 =	sld [smem:$0x3FB8]  }
0x39: {  	_ = 	snop;
	(pc) =	sbr.ind lr, $3  }
0x3a: {  	_ = 	snop  }
0x3b: {  	_ = 	snop  }
0x3c: {  	p2 =	seq.s32 s10, $0x1;
	s10 =	sld [smem:$0x3FB7]  }
0x3d: {  	_ =	shalt  }
0x3e: {  	_ =	shalt  }
0x3f: {  	_ =	shalt  }
0x40: {  	_ =	shalt  }
0x41: {  	_ =	shalt  }
0x42: {  	_ =	shalt  }
0x43: {  	_ =	shalt  }
0x44: {  	_ =	shalt  }
0x45: {  	_ =	shalt  }
0x46: {  	_ =	shalt  }
0x47: {  	_ =	shalt  }
0x48: {  	_ =	shalt  }
0x49: {  	_ =	shalt  }
0x4a: {  	_ =	shalt  }
0x4b: {  	_ =	shalt  }
0x4c: {  	_ =	shalt  }
0x4d: {  	_ =	shalt  }
0x4e: {  	_ =	shalt  }
0x4f: {  	_ =	shalt  }
0x50: {  	_ =	shalt  }
0x51: {  	_ =	shalt  }
0x52: {  	_ =	shalt  }
0x53: {  	_ =	shalt  }
0x54: {  	_ =	shalt  }
0x55: {  	_ =	shalt  }
0x56: {  	_ =	shalt  }
0x57: {  	_ =	shalt  }
0x58: {  	_ =	shalt  }
0x59: {  	_ =	shalt  }
0x5a: {  	_ =	shalt  }
0x5b: {  	_ =	shalt  }
0x5c: {  	_ =	shalt  }
0x5d: {  	_ =	shalt  }
0x5e: {  	_ =	shalt  }
0x5f: {  	_ =	shalt  }
0x60: {  	_ =	shalt  }
0x61: {  	_ =	shalt  }
0x62: {  	_ =	shalt  }
0x63: {  	_ =	shalt  }
0x64: {  	_ =	shalt  }
0x65: {  	_ =	shalt  }
0x66: {  	_ =	shalt  }
0x67: {  	_ =	shalt  }
0x68: {  	_ =	shalt  }
0x69: {  	_ =	shalt  }
0x6a: {  	_ =	shalt  }
0x6b: {  	_ =	shalt  }
0x6c: {  	_ =	shalt  }
0x6d: {  	_ =	shalt  }
0x6e: {  	_ =	shalt  }
0x6f: {  	_ =	shalt  }
0x70: {  	_ =	shalt  }
0x71: {  	_ =	shalt  }
0x72: {  	_ =	shalt  }
0x73: {  	_ =	shalt  }
0x74: {  	_ =	shalt  }
0x75: {  	_ =	shalt  }
0x76: {  	_ =	shalt  }
0x77: {  	_ =	shalt  }
0x78: {  	_ =	shalt  }
0x79: {  	_ =	shalt  }
0x7a: {  	_ =	shalt  }
0x7b: {  	_ =	shalt  }
0x7c: {  	_ =	shalt  }
0x7d: {  	_ =	shalt  }
0x7e: {  	_ =	shalt  }
0x7f: {  	_ =	shalt  }
0x80: {  	_ =	shalt  }
0x81: {  	_ =	shalt  }
0x82: {  	_ =	shalt  }
0x83: {  	_ =	shalt  }
0x84: {  	_ =	shalt  }
0x85: {  	_ =	shalt  }
0x86: {  	_ =	shalt  }
0x87: {  	_ =	shalt  }
.Lfunc_end0:
.L_simem_size_0:
called_computation_lowered:
.L_overlay_start_0:
0x88: {  	s2 =	sld [smem:$0x3FD9]  }
0x89: {  	s3 =	sld [smem:$0x3FFE];
	_ =	sdelay $0x1  }
0x8a: {  	s1 =	srdreg.scid  }
0x8b: {  	s0 =	sand.u32 $0x1, s1  }
0x8c: {  	s17 =	sshll.u32 s0, $0xA;
	s2 =	sadd.s32 s3, s2  }
0x8d: {  	s2 =	sadd.s32 s2, s17  }
0x8e: {  	[smem:$0x3FC3] =	sst s2  }
0x8f: {  	_ = 	snop  }
0x90: {  	s2 =	sld [smem:$0x3FD0];
	(tm) =	ssettm $0x1  }
0x91: {  	s18 =	sld [smem:$0x3FFB];
	_ =	sdelay $0x3  }
0x92: {  	_ =	strace s18  }
0x93: {  	s3 =	sld [smem:$0x3FFC];
	_ =	sdelay $0x3  }
0x94: {  	_ =	strace s3  }
0x95: {  	s3 =	sld [smem:$0x3FFD];
	_ =	sdelay $0x3  }
0x96: {  	_ =	strace s3  }
0x97: {  	_ =	strace $0x8FFFFFFF  }
0x98: {  	s19 =	sld [smem:$0x3FDB];
	_ =	sdelay $0x1  }
0x99: {  	s4 =	simm.s32 $_scs_section_size  }
0x9a: {  	s5 =	simm.s32 $_size__tile_overlayer_lowered;
	s6 =	simm.s32 $_tile_overlayer_lowered  }
0x9b: {  	s22 =	simm.s32 $0x1BFF;
	s21 =	sshll.u32 s6, $0x1;
	s3 =	sadd.s32 s4, s19  }
0x9c: {  	s7 =	simm.s32 $0x0;
	s20 =	sshll.u32 s5, $0x1;
	s5 =	sadd.s32 s21, s3  }
0x9d: {  	[timem:s7], [sflag:s22] =	dma.local [hbm:s5], s20  }
0x9e: {  	_ =	swait.ge [sflag:s22], s20  }
0x9f: {  	s4 =	ssub.s32 $0x0, s20;
	[sflag:s22] =	ssyncset.done $0x0  }
0xa0: {  	[sflag:s22] =	ssyncadd.s32 s4;
	_ =	sdelay $0x1  }
0xa1: {  	s23 =	simm.s32 $0x1B8B  }
0xa2: {  	_ =	swait.ge [sflag:s23], $0x1  }
0xa3: {  	[sflag:s23] =	ssyncset.done $0x0  }
0xa4: {  	s25 =	simm.s32 $0x1B8E;
	s24 =	sld [smem:$0x3FFE];
	[sflag:s23] =	ssyncadd.s32 $0xFFFFFFFF  }
0xa5: {  	s26 =	simm.s32 $execute0_lowered;
	[smem:$0x3FD2] =	sst s25  }
0xa6: {  	s5 =	sshll.u32 s26, $0x1;
	_ =	strace $0x80000046;
	[dreg:$0x1] =	wrdreg $0xFFFFFFFF  }
0xa7: {  	s28 =	simm.s32 $_size_execute0_lowered;
	s3 =	sadd.s32 s3, s5;
	[dreg:$0x0] =	wrdreg $0x0  }
0xa8: {  	s5 =	sshll.u32 s28, $0x1;
	[dreg:$0x2] =	wrdreg s3  }
0xa9: {  	[dreg:$0x3] =	wrdreg s5  }
0xaa: {  	[dreg:$0x4] =	wrdreg $0xC0  }
0xab: {  	_ =	task [dreg:s7], $0x5FFFF  }
0xac: {  	[dreg:$0x1] =	wrdreg $0xFFFFFFFF  }
0xad: {  	[dreg:$0x0] =	wrdreg $0x60  }
0xae: {  	[dreg:$0x2] =	wrdreg s2  }
0xaf: {  	[dreg:$0x3] =	wrdreg s24  }
0xb0: {  	[dreg:$0x4] =	wrdreg $0x0  }
0xb1: {  	[dreg:$0x5] =	wrdreg $0x9  }
0xb2: {  	_ =	task.clear_ibuf [dreg:s7], $0x6FFFF;
	_ =	strace $0x90000046  }
0xb3: {  	s29 =	simm.s32 $0x9;
	_ =	strace $0x80000048  }
0xb4: {  	_ =	swait.ge [sflag:s29], $0x1  }
0xb5: {  	[sflag:s29] =	ssyncadd.s32 $0xFFFFFFFF  }
0xb6: {  	_ =	strace $0x90000048  }
0xb7: {  	_ =	sfence  }
0xb8: {  	s30 =	sld [smem:$0x0];
	_ =	sdelay $0x2  }
0xb9: {  	s31 =	sshll.u32 s1, $0xD;
	s1 =	sshrl.u32 s1, $0x2  }
0xba: {  	s3 =	sand.u32 $0x4000, s31;
	s1 =	sadd.s32 s1, s30  }
0xbb: {  	s0 =	sor.u32 s3, s0;
	s1 =	sshll.u32 s1, $0x11  }
0xbc: {  	s0 =	sor.u32 s1, s0  }
0xbd: {  	s0 =	sadd.s32 $0x8F2B, s0  }
0xbe: {  	[sflag:s0] =	ssyncadd.remote.s32 $0x1  }
0xbf: {  	_ =	sfence.sel $0xFFFF  }
0xc0: {  	[dreg:$0x0] =	wrdreg $0xFFFFFFFF;
	(pc) =	sbr.abs _section_cstart, $3  }
0xc1: {  	[dreg:$0x1] =	wrdreg $0xFFFFFFFF  }
0xc2: {  	_ =	task.clear_ibuf [dreg:s7], $0x2FFFF;
	_ =	strace $0x9FFFFFFF  }
0xc3: {  	(tm) =	ssettm $0x7FFFFFFF  }
tec
execute0_lowered:
.L_overlay_start_1:
0x0: {  	(tag) =	ssettag $0x1  }
0x1: {  	s2 =	rddreg [dreg:$0x0]  }
0x2: {  	s0 =	rddreg [dreg:$0x1]  }
0x3: {  	s3 =	rddreg [dreg:$0x2]  }
0x4: {  	s10 =	stileid.u32;
	s4 =	simm.s32 $0x0;
	s6 =	srdreg.scid  }
0x5: {  	s28 =	simm.s32 $0x400;
	s29 =	simm.s32 $0x13880;
	s31 =	simm.s32 $0x3  }
0x6: {  	s30 =	simm.s32 $0x2;
	s1 =	sshrl.u32 s10, $0x3;
	s5 =	sshll.u32 s10, $0x7  }
0x7: {  	[smem:$0x7FF] =	sst s4;
	s9 =	smul.u32 $0x2800, s10;
	s15 =	sand.u32 $0x1, s6  }
0x8: {  	s7 =	smul.u32 $0x50000, s10;
	s16 =	sadd.s32 $0x12C000, s3;
	s6 =	ssub.s32 $0x2, s15  }
0x9: {  	s17 =	sadd.s32 $0x12E800, s3;
	_ =	strace $0x80000047;
	s8 =	sshrl.u32 s6, $0x1  }
0xa: {  	[dreg:$0x4] =	wrdreg s9;
	s9 =	sadd.s32 s9, s0;
	s7 =	sshrl.u32 s7, $0x2  }
0xb: {  	s6 =	ssub.s32 s6, s8;
	s8 =	sadd.s32 s7, s3;
	s26 =	sadd.s32 $0xAA00, s9  }
0xc: {  	p1 =	seq.s32 s10, $0xF;
	s19 =	sadd.s32 $0x2800, s8;
	[dreg:$0xe] =	wrdreg s26  }
0xd: {  	s1 =	smul.u32 $0x13C00, s1;
	s20 =	sadd.s32 $0x5000, s8;
	[dreg:$0x7] =	wrdreg s19  }
0xe: {  	s5 =	sand.u32 $0x380, s5;
	s21 =	sadd.s32 $0x7800, s8;
	[dreg:$0x8] =	wrdreg s20  }
0xf: {  	p0 =	sne.s32 s15, $0x0;
	s22 =	sadd.s32 $0xA000, s8;
	[dreg:$0x9] =	wrdreg s21  }
0x10: {  	s1 =	sor.u32 s5, s1;
	s23 =	sadd.s32 $0xC800, s8;
	[dreg:$0xa] =	wrdreg s22  }
0x11: {  	s5 =	simm.s32 $0x1B000;
	s24 =	sadd.s32 $0xF000, s8;
	[dreg:$0xb] =	wrdreg s23  }
0x12: {  	s1 =	sshrl.u32 s1, $0x3;
	s25 =	sadd.s32 $0x11800, s8;
	[dreg:$0xc] =	wrdreg s24  }
0x13: {  	s7 =	simm.s32 $0x4;
	s1 =	sadd.s32 s1, s0;
	[dreg:$0xd] =	wrdreg s25  }
0x14: {  	s19 =	sadd.s32 $0x133800, s3;
	s20 =	sadd.s32 $0x136000, s3;
	s21 =	sadd.s32 $0x27100, s2  }
.Ltmp0:
0x15: {  	s22 =	sadd.s32 $0x31B00, s0;
	s0 =	sadd.s32 $0x30200, s0;
	(pc) =	sbr.rel .LBB2_1-.Ltmp0, $4  }
0x16: {  	s25 =	smax.u32 s6, $0x1;
	s23 =	simm.s32 $0x50;
	s24 =	simm.s32 $0x18800  }
0x17: {  	s6 =	simm.s32 $0x18780;
	s18 =	sadd.s32 $0xC00, s1;
	[dreg:$0xf] =	wrdreg s0  }
0x18: {  	s1 =	sadd.s32 $0x5B00, s1;
	s0 =	simm.s32 $0x1;
	[dreg:$0x5] =	wrdreg s18  }
0x19: {  	v0 =	vimm.f32 $0.0e+00;
	[dreg:$0x6] =	wrdreg s1;
	s18 =	sadd.s32 $0x131000, s3;
	s1 =	simm.s32 $0x1D800  }
.LBB2_9:
0x1a: {  	[sflag:s7] =	ssyncadd.s32 $0xFFFFD800  }
0x1b: {  	_ =	swait.ge [sflag:s0], $0x2800  }
0x1c: {  	[sflag:s0] =	ssyncset.done $0x0  }
0x1d: {  	[sflag:s0] =	ssyncadd.s32 $0xFFFFD800  }
0x1e: {  	v1 =	vld [tilespmem:$0x18670]  }
0x1f: {  	v2 =	vld [tilespmem:$0x18680]  }
0x20: {  	v3 =	vld [tilespmem:$0x18690]  }
0x21: {  	v4 =	vld [tilespmem:$0x186A0]  }
0x22: {  	v5 =	vld [tilespmem:$0x186B0]  }
0x23: {  	[tilespmem:$0x18780] =	vst v1  }
0x24: {  	[tilespmem:$0x18790] =	vst v2  }
0x25: {  	[tilespmem:$0x187A0] =	vst v3  }
0x26: {  	[tilespmem:$0x187B0] =	vst v4  }
0x27: {  	[tilespmem:$0x187C0] =	vst v5  }
0x28: {  	[spmem:s3] =	stream.indirect.scatter.add.f32 [tilespmem:s24], [sflag:$0x4], $0x80, s6, s23, $0xb8;
	v63 =	vld [tilespmem:$0x0]  }
0x29: {  	_ =	swait.ge [sflag:s7], $0x2800  }
0x2a: {  	[sflag:s7] =	ssyncset.done $0x0  }
0x2b: {  	[sflag:s7] =	ssyncadd.s32 $0xFFFFD800  }
0x2c: {  	_ =	swait.ge [sflag:s30], $0x2800  }
0x2d: {  	[sflag:s30] =	ssyncset.done $0x0  }
0x2e: {  	[sflag:s30] =	ssyncadd.s32 $0xFFFFD800  }
0x2f: {  	v1 =	vld [tilespmem:$0x186C0]  }
0x30: {  	v2 =	vld [tilespmem:$0x186D0]  }
0x31: {  	v3 =	vld [tilespmem:$0x186E0]  }
0x32: {  	v61 =	vld [tilespmem:$0x186F0]  }
0x33: {  	v62 =	vld [tilespmem:$0x18700]  }
0x34: {  	[tilespmem:$0x18780] =	vst v1  }
0x35: {  	[tilespmem:$0x18790] =	vst v2  }
0x36: {  	[tilespmem:$0x187A0] =	vst v3  }
0x37: {  	[tilespmem:$0x187B0] =	vst v61  }
0x38: {  	[tilespmem:$0x187C0] =	vst v62  }
0x39: {  	[spmem:s3] =	stream.indirect.scatter.add.f32 [tilespmem:s5], [sflag:$0x4], $0x80, s6, s23, $0xb8;
	v63 =	vld [tilespmem:$0x0]  }
0x3a: {  	_ =	swait.ge [sflag:s7], $0x2800  }
0x3b: {  	[sflag:s7] =	ssyncset.done $0x0  }
0x3c: {  	[sflag:s7] =	ssyncadd.s32 $0xFFFFD800  }
0x3d: {  	s12 =	sadd.s32 @p1 $0x25800, s22;
	s13 =	simm.s32 @p1 $0x1FC4;
	[bflag:$0x0] =	sbarrier.arrive $0xFFFF  }
0x3e: {  	[hbm:s12], [sflag:s13] =	dma.local @p1 [spmem:s11], $0x1900  }
0x3f: {  	s11 =	simm.s32 @p1 $0x4  }
0x40: {  	_ =	swait.ge @p1 [sflag:s11], $0x1900  }
0x41: {  	[sflag:s11] =	ssyncset.done @p1 $0x0  }
0x42: {  	[sflag:s11] =	ssyncadd.s32 @p1 $0xFFFFE700;
	s11 =	rddreg [dreg:$0x4]  }
0x43: {  	s11 =	sadd.s32 @!p1 s11, s22  }
0x44: {  	[hbm:s11], [sflag:s10] =	dma.local @!p1 [spmem:s9], $0x2800  }
0x45: {  	s9 =	simm.s32 @!p1 $0x4  }
0x46: {  	_ =	swait.ge @!p1 [sflag:s9], $0x2800  }
0x47: {  	[sflag:s9] =	ssyncset.done @!p1 $0x0  }
0x48: {  	[sflag:s9] =	ssyncadd.s32 @!p1 $0xFFFFD800  }
.LBB2_10:
0x49: {  	s4 =	sadd.s32 $0x1, s4  }
0x4a: {  	p2 =	sne.s32 s4, s25  }
.Ltmp1:
0x4b: {  	_ = 	snop;
	(pc) =	sbr.rel @!p2 .LBB2_11-.Ltmp1, $1  }
0x4c: {  	_ =	sdelay $0x3  }
.LBB2_1:
0x4d: {  	s9 =	rddreg [dreg:$0x5];
	s10 =	simm.s32 $0x80  }
0x4e: {  	[tilespmem:s29], [sflag:$0x1] =	stream.strided.gather [hbm4b:s9+s10], $0x2780, s28, s10, $0x38;
	v63 =	vld [tilespmem:$0x0]  }
0x4f: {  	s26 =	rddreg [dreg:$0x6];
	s11 =	simm.s32 $0x16000  }
0x50: {  	[tilespmem:s11], [sflag:$0x2] =	stream.strided.gather [hbm4b:s26+s10], $0x2780, s28, s10, $0x38;
	v63 =	vld [tilespmem:$0x0]  }
0x51: {  	s9 =	simm.s32 $0x0;
	s10 =	simm.s32 $0x200  }
.LBB2_2:
0x52: {  	p2 =	sne.s32 s10, $0x9E00;
	[tilespmem:s9+$0x18870] =	vst v0  }
0x53: {  	[tilespmem:s9+$0x18800] =	vst v0  }
0x54: {  	[tilespmem:s9+$0x18810] =	vst v0  }
.Ltmp2:
0x55: {  	[tilespmem:s9+$0x18820] =	vst v0;
	(pc) =	sbr.rel @p2 .LBB2_2-.Ltmp2, $4  }
0x56: {  	[tilespmem:s9+$0x18830] =	vst v0  }
0x57: {  	[tilespmem:s9+$0x18840] =	vst v0  }
0x58: {  	[tilespmem:s9+$0x18850] =	vst v0  }
0x59: {  	[tilespmem:s9+$0x18860] =	vst v0;
	s9 =	sshra.s32 s10, $0x2;
	s10 =	sadd.s32 $0x200, s10  }
0x5a: {  	[tilespmem:s9+$0x18870] =	vst v0  }
0x5b: {  	[tilespmem:s9+$0x18800] =	vst v0  }
0x5c: {  	[tilespmem:s9+$0x18810] =	vst v0  }
0x5d: {  	[tilespmem:s9+$0x18820] =	vst v0  }
0x5e: {  	[tilespmem:s9+$0x18830] =	vst v0  }
0x5f: {  	[tilespmem:s9+$0x18840] =	vst v0  }
0x60: {  	[tilespmem:s9+$0x18850] =	vst v0  }
0x61: {  	[tilespmem:s9+$0x18860] =	vst v0;
	s9 =	simm.s32 @p1 $0x18800  }
0x62: {  	[spmem:s16] =	stream.linear.scatter @p1 [tilespmem:s9], [sflag:$0x3], $0x2800, $0x38;
	v63 =	vld [tilespmem:$0x0]  }
0x63: {  	_ = 	snop  }
0x64: {  	[spmem:s17] =	stream.linear.scatter @p1 [tilespmem:s9], [sflag:$0x3], $0x2800, $0x38;
	v63 =	vld [tilespmem:$0x0]  }
0x65: {  	_ = 	snop  }
0x66: {  	[spmem:s18] =	stream.linear.scatter @p1 [tilespmem:s9], [sflag:$0x3], $0x2800, $0x38;
	v63 =	vld [tilespmem:$0x0]  }
0x67: {  	_ = 	snop  }
0x68: {  	[spmem:s19] =	stream.linear.scatter @p1 [tilespmem:s9], [sflag:$0x3], $0x2800, $0x38;
	v63 =	vld [tilespmem:$0x0]  }
0x69: {  	_ = 	snop  }
0x6a: {  	[spmem:s20] =	stream.linear.scatter @p1 [tilespmem:s9], [sflag:$0x3], $0x2800, $0x38;
	v63 =	vld [tilespmem:$0x0]  }
0x6b: {  	s9 =	simm.s32 @!p1 $0x18800  }
0x6c: {  	[spmem:s8] =	stream.linear.scatter @!p1 [tilespmem:s9], [sflag:$0x3], $0x2800, $0x38;
	v63 =	vld [tilespmem:$0x0]  }
0x6d: {  	s10 =	rddreg [dreg:$0x7]  }
0x6e: {  	[spmem:s10] =	stream.linear.scatter @!p1 [tilespmem:s9], [sflag:$0x3], $0x2800, $0x38;
	v63 =	vld [tilespmem:$0x0]  }
0x6f: {  	s10 =	rddreg [dreg:$0x8]  }
0x70: {  	[spmem:s10] =	stream.linear.scatter @!p1 [tilespmem:s9], [sflag:$0x3], $0x2800, $0x38;
	v63 =	vld [tilespmem:$0x0]  }
0x71: {  	s10 =	rddreg [dreg:$0x9]  }
0x72: {  	[spmem:s10] =	stream.linear.scatter @!p1 [tilespmem:s9], [sflag:$0x3], $0x2800, $0x38;
	v63 =	vld [tilespmem:$0x0]  }
0x73: {  	s10 =	rddreg [dreg:$0xa]  }
0x74: {  	[spmem:s10] =	stream.linear.scatter @!p1 [tilespmem:s9], [sflag:$0x3], $0x2800, $0x38;
	v63 =	vld [tilespmem:$0x0]  }
0x75: {  	s10 =	rddreg [dreg:$0xb]  }
0x76: {  	[spmem:s10] =	stream.linear.scatter @!p1 [tilespmem:s9], [sflag:$0x3], $0x2800, $0x38;
	v63 =	vld [tilespmem:$0x0]  }
0x77: {  	s10 =	rddreg [dreg:$0xc]  }
0x78: {  	[spmem:s10] =	stream.linear.scatter @!p1 [tilespmem:s9], [sflag:$0x3], $0x2800, $0x38;
	v63 =	vld [tilespmem:$0x0]  }
0x79: {  	s10 =	rddreg [dreg:$0xd]  }
0x7a: {  	[spmem:s10] =	stream.linear.scatter @!p1 [tilespmem:s9], [sflag:$0x3], $0x2800, $0x38;
	v63 =	vld [tilespmem:$0x0]  }
0x7b: {  	s9 =	simm.s32 @!p1 $0x3  }
0x7c: {  	_ =	swait.ge @!p1 [sflag:s9], $0x2800  }
0x7d: {  	[sflag:s9] =	ssyncset.done @!p1 $0x0  }
0x7e: {  	[sflag:s9] =	ssyncadd.s32 @!p1 $0xFFFFD800  }
0x7f: {  	_ =	swait.ge @!p1 [sflag:s9], $0x2800  }
0x80: {  	[sflag:s9] =	ssyncset.done @!p1 $0x0  }
0x81: {  	[sflag:s9] =	ssyncadd.s32 @!p1 $0xFFFFD800  }
0x82: {  	_ =	swait.ge @!p1 [sflag:s9], $0x2800  }
0x83: {  	[sflag:s9] =	ssyncset.done @!p1 $0x0  }
0x84: {  	[sflag:s9] =	ssyncadd.s32 @!p1 $0xFFFFD800  }
0x85: {  	_ =	swait.ge [sflag:s31], $0x2800  }
0x86: {  	[sflag:s31] =	ssyncset.done $0x0  }
0x87: {  	[sflag:s31] =	ssyncadd.s32 $0xFFFFD800  }
0x88: {  	_ =	swait.ge [sflag:s31], $0x2800  }
0x89: {  	[sflag:s31] =	ssyncset.done $0x0  }
0x8a: {  	[sflag:s31] =	ssyncadd.s32 $0xFFFFD800  }
0x8b: {  	_ =	swait.ge [sflag:s31], $0x2800  }
0x8c: {  	[sflag:s31] =	ssyncset.done $0x0  }
0x8d: {  	[sflag:s31] =	ssyncadd.s32 $0xFFFFD800  }
0x8e: {  	_ =	swait.ge [sflag:s31], $0x2800  }
0x8f: {  	[sflag:s31] =	ssyncset.done $0x0  }
0x90: {  	[sflag:s31] =	ssyncadd.s32 $0xFFFFD800  }
0x91: {  	_ =	swait.ge [sflag:s31], $0x2800  }
0x92: {  	[sflag:s31] =	ssyncset.done $0x0  }
0x93: {  	[sflag:s31] =	ssyncadd.s32 $0xFFFFD800  }
0x94: {  	_ =	swait.ge [sflag:s0], $0x2780  }
.Ltmp3:
0x95: {  	[sflag:s0] =	ssyncset.done $0x0;
	(pc) =	sbr.rel @p0 .LBB2_7-.Ltmp3, $4  }
0x96: {  	[sflag:s0] =	ssyncadd.s32 $0xFFFFD880  }
0x97: {  	s9 =	stileid.u32;
	_ =	swait.ge [sflag:s30], $0x2780  }
0x98: {  	s11 =	sshrl.u32 @p1 s16, $0x3;
	s10 =	sshll.u32 @!p1 s9, $0x6;
	[sflag:s30] =	ssyncset.done $0x0  }
0x99: {  	s9 =	sshrl.u32 @!p1 s8, $0x3;
	s10 =	sor.u32 @!p1 $0x1C04, s10;
	[sflag:s30] =	ssyncadd.s32 $0xFFFFD880  }
0x9a: {  	[tilespmem:s24], [sflag:$0x1] =	stream.indirect.gather [hbm4b:s2+s23], $0x80, s29, s23, $0xb8;
	v63 =	vld [tilespmem:$0x0]  }
0x9b: {  	s12 =	simm.s32 $0x138D0  }
0x9c: {  	[tilespmem:s5], [sflag:$0x2] =	stream.indirect.gather [hbm4b:s2+s23], $0x80, s12, s23, $0xb8;
	v63 =	vld [tilespmem:$0x0]  }
0x9d: {  	[bflag:$0x0] =	sbarrier.arrive $0xFFFF  }
0x9e: {  	_ =	swait.ge [sflag:s0], $0x2800  }
0x9f: {  	[sflag:s0] =	ssyncset.done $0x0  }
0xa0: {  	s13 =	simm.s32 $0x13920;
	s12 =	simm.s32 $0x16070;
	[sflag:s0] =	ssyncadd.s32 $0xFFFFD800  }
0xa1: {  	[tilespmem:s1], [sflag:$0x3] =	stream.indirect.gather [hbm4b:s2+s23], $0x80, s13, s23, $0xb8;
	v63 =	vld [tilespmem:$0x0]  }
0xa2: {  	v1 =	vld [tilespmem:s12+$0xFFFFFF90];
	_ =	sdelay $0x4  }
0xa3: {  	[tilespmem:$0x18780] =	vst v1  }
0xa4: {  	v1 =	vld [tilespmem:s12+$0xFFFFFFA0];
	_ =	sdelay $0x4  }
0xa5: {  	[tilespmem:$0x18790] =	vst v1  }
0xa6: {  	v1 =	vld [tilespmem:s12+$0xFFFFFFB0];
	_ =	sdelay $0x4  }
0xa7: {  	[tilespmem:$0x187A0] =	vst v1  }
0xa8: {  	v1 =	vld [tilespmem:s12+$0xFFFFFFC0];
	_ =	sdelay $0x4  }
0xa9: {  	[tilespmem:$0x187B0] =	vst v1  }
0xaa: {  	v1 =	vld [tilespmem:s12+$0xFFFFFFD0];
	_ =	sdelay $0x4  }
0xab: {  	[tilespmem:$0x187C0] =	vst v1  }
0xac: {  	[spmem:s3] =	stream.indirect.scatter.add.f32 [tilespmem:s24], [sflag:$0x4], $0x80, s6, s23, $0xb8;
	v63 =	vld [tilespmem:$0x0]  }
0xad: {  	_ =	swait.ge [sflag:s7], $0x2800  }
0xae: {  	[sflag:s7] =	ssyncset.done $0x0  }
0xaf: {  	[sflag:s7] =	ssyncadd.s32 $0xFFFFD800  }
0xb0: {  	_ =	swait.ge [sflag:s30], $0x2800  }
0xb1: {  	[sflag:s30] =	ssyncset.done $0x0  }
0xb2: {  	s15 =	simm.s32 $0x13970;
	[sflag:s30] =	ssyncadd.s32 $0xFFFFD800  }
0xb3: {  	[tilespmem:s24], [sflag:$0x1] =	stream.indirect.gather [hbm4b:s2+s23], $0x80, s15, s23, $0xb8;
	v63 =	vld [tilespmem:$0x0]  }
0xb4: {  	v1 =	vld [tilespmem:s12+$0xFFFFFFE0];
	_ =	sdelay $0x4  }
0xb5: {  	[tilespmem:$0x18780] =	vst v1  }
0xb6: {  	v1 =	vld [tilespmem:s12+$0xFFFFFFF0];
	_ =	sdelay $0x4  }
0xb7: {  	[tilespmem:$0x18790] =	vst v1  }
0xb8: {  	v1 =	vld [tilespmem:s12+$0x0];
	_ =	sdelay $0x3  }
0xb9: {  	s26 =	simm.s32 $0x0  }
0xba: {  	s13 =	sand.u32 $0x3FF0, s26;
	[tilespmem:$0x187A0] =	vst v1  }
0xbb: {  	v1 =	vld [tilespmem:s13+$0x16080];
	_ =	sdelay $0x4  }
0xbc: {  	[tilespmem:$0x187B0] =	vst v1  }
0xbd: {  	v1 =	vld [tilespmem:s12+$0x20];
	_ =	sdelay $0x4  }
0xbe: {  	[tilespmem:$0x187C0] =	vst v1  }
0xbf: {  	[spmem:s3] =	stream.indirect.scatter.add.f32 [tilespmem:s5], [sflag:$0x4], $0x80, s6, s23, $0xb8;
	v63 =	vld [tilespmem:$0x0]  }
0xc0: {  	_ =	swait.ge [sflag:s7], $0x2800  }
0xc1: {  	[sflag:s7] =	ssyncset.done $0x0  }
0xc2: {  	[sflag:s7] =	ssyncadd.s32 $0xFFFFD800  }
0xc3: {  	_ =	swait.ge [sflag:s31], $0x2800  }
0xc4: {  	[sflag:s31] =	ssyncset.done $0x0  }
0xc5: {  	s13 =	simm.s32 $0x139C0;
	[sflag:s31] =	ssyncadd.s32 $0xFFFFD800  }
0xc6: {  	[tilespmem:s5], [sflag:$0x2] =	stream.indirect.gather [hbm4b:s2+s23], $0x80, s13, s23, $0xb8;
	v63 =	vld [tilespmem:$0x0]  }
0xc7: {  	v1 =	vld [tilespmem:s12+$0x30];
	_ =	sdelay $0x4  }
0xc8: {  	[tilespmem:$0x18780] =	vst v1  }
0xc9: {  	v1 =	vld [tilespmem:s12+$0x40];
	_ =	sdelay $0x4  }
0xca: {  	[tilespmem:$0x18790] =	vst v1  }
0xcb: {  	v1 =	vld [tilespmem:s12+$0x50];
	_ =	sdelay $0x4  }
0xcc: {  	[tilespmem:$0x187A0] =	vst v1  }
0xcd: {  	v1 =	vld [tilespmem:s12+$0x60];
	_ =	sdelay $0x4  }
0xce: {  	[tilespmem:$0x187B0] =	vst v1  }
0xcf: {  	v1 =	vld [tilespmem:s12+$0x70];
	_ =	sdelay $0x4  }
0xd0: {  	[tilespmem:$0x187C0] =	vst v1  }
0xd1: {  	[spmem:s3] =	stream.indirect.scatter.add.f32 [tilespmem:s1], [sflag:$0x4], $0x80, s6, s23, $0xb8;
	v63 =	vld [tilespmem:$0x0]  }
0xd2: {  	_ =	swait.ge [sflag:s7], $0x2800  }
0xd3: {  	s14 =	simm.s32 $0xF0;
	[sflag:s7] =	ssyncset.done $0x0  }
.LBB2_5:
0xd4: {  	[sflag:s7] =	ssyncadd.s32 $0xFFFFD800  }
0xd5: {  	s13 =	sadd.s32 $0xF0, s13;
	s12 =	sadd.s32 $0xF0, s12;
	s15 =	smov.u32 s14  }
0xd6: {  	p2 =	sne.s32 s14, $0x2580;
	s14 =	sadd.s32 $0xF0, s14;
	_ =	swait.ge [sflag:s0], $0x2800  }
0xd7: {  	[sflag:s0] =	ssyncset.done $0x0  }
0xd8: {  	s26 =	sadd.s32 $0xFFFFFF60, s13;
	[sflag:s0] =	ssyncadd.s32 $0xFFFFD800  }
0xd9: {  	[tilespmem:s1], [sflag:$0x3] =	stream.indirect.gather [hbm4b:s2+s23], $0x80, s26, s23, $0xb8;
	v63 =	vld [tilespmem:$0x0]  }
0xda: {  	v1 =	vld [tilespmem:s12+$0xFFFFFF90];
	_ =	sdelay $0x4  }
0xdb: {  	[tilespmem:$0x18780] =	vst v1  }
0xdc: {  	v1 =	vld [tilespmem:s12+$0xFFFFFFA0];
	_ =	sdelay $0x4  }
0xdd: {  	[tilespmem:$0x18790] =	vst v1  }
0xde: {  	v1 =	vld [tilespmem:s12+$0xFFFFFFB0];
	_ =	sdelay $0x4  }
0xdf: {  	[tilespmem:$0x187A0] =	vst v1  }
0xe0: {  	v1 =	vld [tilespmem:s12+$0xFFFFFFC0];
	_ =	sdelay $0x4  }
0xe1: {  	[tilespmem:$0x187B0] =	vst v1  }
0xe2: {  	v1 =	vld [tilespmem:s12+$0xFFFFFFD0];
	_ =	sdelay $0x4  }
0xe3: {  	[tilespmem:$0x187C0] =	vst v1  }
0xe4: {  	[spmem:s3] =	stream.indirect.scatter.add.f32 [tilespmem:s24], [sflag:$0x4], $0x80, s6, s23, $0xb8;
	v63 =	vld [tilespmem:$0x0]  }
0xe5: {  	_ =	swait.ge [sflag:s7], $0x2800  }
0xe6: {  	[sflag:s7] =	ssyncset.done $0x0  }
0xe7: {  	[sflag:s7] =	ssyncadd.s32 $0xFFFFD800  }
0xe8: {  	_ =	swait.ge [sflag:s30], $0x2800  }
0xe9: {  	[sflag:s30] =	ssyncset.done $0x0  }
0xea: {  	s26 =	sadd.s32 $0xFFFFFFB0, s13;
	[sflag:s30] =	ssyncadd.s32 $0xFFFFD800  }
0xeb: {  	[tilespmem:s24], [sflag:$0x1] =	stream.indirect.gather [hbm4b:s2+s23], $0x80, s26, s23, $0xb8;
	v63 =	vld [tilespmem:$0x0]  }
0xec: {  	v1 =	vld [tilespmem:s12+$0xFFFFFFE0];
	_ =	sdelay $0x4  }
0xed: {  	[tilespmem:$0x18780] =	vst v1  }
0xee: {  	v1 =	vld [tilespmem:s12+$0xFFFFFFF0];
	_ =	sdelay $0x4  }
0xef: {  	[tilespmem:$0x18790] =	vst v1  }
0xf0: {  	v1 =	vld [tilespmem:s12+$0x0];
	_ =	sdelay $0x4  }
0xf1: {  	s15 =	sand.u32 $0x3FF0, s15;
	[tilespmem:$0x187A0] =	vst v1  }
0xf2: {  	v1 =	vld [tilespmem:s15+$0x16080];
	_ =	sdelay $0x4  }
0xf3: {  	[tilespmem:$0x187B0] =	vst v1  }
0xf4: {  	v1 =	vld [tilespmem:s12+$0x20];
	_ =	sdelay $0x4  }
0xf5: {  	[tilespmem:$0x187C0] =	vst v1  }
0xf6: {  	[spmem:s3] =	stream.indirect.scatter.add.f32 [tilespmem:s5], [sflag:$0x4], $0x80, s6, s23, $0xb8;
	v63 =	vld [tilespmem:$0x0]  }
0xf7: {  	_ =	swait.ge [sflag:s7], $0x2800  }
0xf8: {  	[sflag:s7] =	ssyncset.done $0x0  }
0xf9: {  	[sflag:s7] =	ssyncadd.s32 $0xFFFFD800  }
0xfa: {  	_ =	swait.ge [sflag:s31], $0x2800  }
0xfb: {  	[sflag:s31] =	ssyncset.done $0x0  }
0xfc: {  	[sflag:s31] =	ssyncadd.s32 $0xFFFFD800  }
0xfd: {  	[tilespmem:s5], [sflag:$0x2] =	stream.indirect.gather [hbm4b:s2+s23], $0x80, s13, s23, $0xb8;
	v63 =	vld [tilespmem:$0x0]  }
0xfe: {  	v1 =	vld [tilespmem:s12+$0x30];
	_ =	sdelay $0x4  }
0xff: {  	[tilespmem:$0x18780] =	vst v1  }
0x100: {  	v1 =	vld [tilespmem:s12+$0x40];
	_ =	sdelay $0x4  }
0x101: {  	[tilespmem:$0x18790] =	vst v1  }
0x102: {  	v1 =	vld [tilespmem:s12+$0x50];
	_ =	sdelay $0x4  }
0x103: {  	[tilespmem:$0x187A0] =	vst v1  }
0x104: {  	v1 =	vld [tilespmem:s12+$0x60];
	_ =	sdelay $0x4  }
0x105: {  	[tilespmem:$0x187B0] =	vst v1  }
0x106: {  	v1 =	vld [tilespmem:s12+$0x70];
	_ =	sdelay $0x3  }
.Ltmp4:
0x107: {  	(pc) =	sbr.rel @p2 .LBB2_5-.Ltmp4, $4  }
0x108: {  	[tilespmem:$0x187C0] =	vst v1  }
0x109: {  	[spmem:s3] =	stream.indirect.scatter.add.f32 [tilespmem:s1], [sflag:$0x4], $0x80, s6, s23, $0xb8;
	v63 =	vld [tilespmem:$0x0]  }
0x10a: {  	_ =	swait.ge [sflag:s7], $0x2800  }
0x10b: {  	[sflag:s7] =	ssyncset.done $0x0  }
0x10c: {  	[sflag:s7] =	ssyncadd.s32 $0xFFFFD800  }
0x10d: {  	_ =	swait.ge [sflag:s0], $0x2800  }
0x10e: {  	[sflag:s0] =	ssyncset.done $0x0  }
0x10f: {  	[sflag:s0] =	ssyncadd.s32 $0xFFFFD800  }
0x110: {  	v1 =	vld [tilespmem:$0x18670]  }
0x111: {  	v2 =	vld [tilespmem:$0x18680]  }
0x112: {  	v3 =	vld [tilespmem:$0x18690]  }
0x113: {  	v4 =	vld [tilespmem:$0x186A0]  }
0x114: {  	v5 =	vld [tilespmem:$0x186B0]  }
0x115: {  	[tilespmem:$0x18780] =	vst v1  }
0x116: {  	[tilespmem:$0x18790] =	vst v2  }
0x117: {  	[tilespmem:$0x187A0] =	vst v3  }
0x118: {  	[tilespmem:$0x187B0] =	vst v4  }
0x119: {  	[tilespmem:$0x187C0] =	vst v5  }
0x11a: {  	[spmem:s3] =	stream.indirect.scatter.add.f32 [tilespmem:s24], [sflag:$0x4], $0x80, s6, s23, $0xb8;
	v63 =	vld [tilespmem:$0x0]  }
0x11b: {  	_ =	swait.ge [sflag:s7], $0x2800  }
0x11c: {  	[sflag:s7] =	ssyncset.done $0x0  }
0x11d: {  	[sflag:s7] =	ssyncadd.s32 $0xFFFFD800  }
0x11e: {  	_ =	swait.ge [sflag:s30], $0x2800  }
0x11f: {  	[sflag:s30] =	ssyncset.done $0x0  }
0x120: {  	[sflag:s30] =	ssyncadd.s32 $0xFFFFD800  }
0x121: {  	v1 =	vld [tilespmem:$0x186C0]  }
0x122: {  	v2 =	vld [tilespmem:$0x186D0]  }
0x123: {  	v3 =	vld [tilespmem:$0x186E0]  }
0x124: {  	v61 =	vld [tilespmem:$0x186F0]  }
0x125: {  	v62 =	vld [tilespmem:$0x18700]  }
0x126: {  	[tilespmem:$0x18780] =	vst v1  }
0x127: {  	[tilespmem:$0x18790] =	vst v2  }
0x128: {  	[tilespmem:$0x187A0] =	vst v3  }
0x129: {  	[tilespmem:$0x187B0] =	vst v61  }
0x12a: {  	[tilespmem:$0x187C0] =	vst v62  }
0x12b: {  	[spmem:s3] =	stream.indirect.scatter.add.f32 [tilespmem:s5], [sflag:$0x4], $0x80, s6, s23, $0xb8;
	v63 =	vld [tilespmem:$0x0]  }
0x12c: {  	_ =	swait.ge [sflag:s7], $0x2800  }
0x12d: {  	[sflag:s7] =	ssyncset.done $0x0  }
0x12e: {  	[sflag:s7] =	ssyncadd.s32 $0xFFFFD800  }
0x12f: {  	[bflag:$0x0] =	sbarrier.arrive $0xFFFF  }
0x130: {  	s12 =	simm.s32 @p1 $0x1FC4;
	s13 =	rddreg [dreg:$0xf]  }
0x131: {  	[hbm:s13], [sflag:s12] =	dma.local @p1 [spmem:s11], $0x1900  }
0x132: {  	s11 =	simm.s32 @p1 $0x4  }
0x133: {  	_ =	swait.ge @p1 [sflag:s11], $0x1900  }
0x134: {  	[sflag:s11] =	ssyncset.done @p1 $0x0  }
0x135: {  	[sflag:s11] =	ssyncadd.s32 @p1 $0xFFFFE700;
	s11 =	rddreg [dreg:$0xe]  }
0x136: {  	[hbm:s11], [sflag:s10] =	dma.local @!p1 [spmem:s9], $0x2800  }
.Ltmp5:
0x137: {  	_ = 	snop;
	(pc) =	sbr.rel .LBB2_10-.Ltmp5, $4  }
0x138: {  	s9 =	simm.s32 @!p1 $0x4  }
0x139: {  	_ =	swait.ge @!p1 [sflag:s9], $0x2800  }
0x13a: {  	[sflag:s9] =	ssyncset.done @!p1 $0x0  }
0x13b: {  	[sflag:s9] =	ssyncadd.s32 @!p1 $0xFFFFD800  }
.LBB2_7:
0x13c: {  	[tilespmem:s24], [sflag:$0x1] =	stream.indirect.gather [hbm4b:s21+s23], $0x80, s29, s23, $0xb8;
	v63 =	vld [tilespmem:$0x0]  }
0x13d: {  	s12 =	simm.s32 $0x138D0  }
0x13e: {  	[tilespmem:s5], [sflag:$0x2] =	stream.indirect.gather [hbm4b:s21+s23], $0x80, s12, s23, $0xb8;
	v63 =	vld [tilespmem:$0x0]  }
0x13f: {  	[bflag:$0x0] =	sbarrier.arrive $0xFFFF  }
0x140: {  	_ =	swait.ge [sflag:s0], $0x2800  }
0x141: {  	[sflag:s0] =	ssyncset.done $0x0  }
0x142: {  	s13 =	simm.s32 $0x13920;
	s12 =	simm.s32 $0x16070;
	[sflag:s0] =	ssyncadd.s32 $0xFFFFD800  }
0x143: {  	[tilespmem:s1], [sflag:$0x3] =	stream.indirect.gather [hbm4b:s21+s23], $0x80, s13, s23, $0xb8;
	v63 =	vld [tilespmem:$0x0]  }
0x144: {  	v1 =	vld [tilespmem:s12+$0xFFFFFF90];
	_ =	sdelay $0x4  }
0x145: {  	[tilespmem:$0x18780] =	vst v1  }
0x146: {  	v1 =	vld [tilespmem:s12+$0xFFFFFFA0];
	_ =	sdelay $0x4  }
0x147: {  	[tilespmem:$0x18790] =	vst v1  }
0x148: {  	v1 =	vld [tilespmem:s12+$0xFFFFFFB0];
	_ =	sdelay $0x4  }
0x149: {  	[tilespmem:$0x187A0] =	vst v1  }
0x14a: {  	v1 =	vld [tilespmem:s12+$0xFFFFFFC0];
	_ =	sdelay $0x4  }
0x14b: {  	[tilespmem:$0x187B0] =	vst v1  }
0x14c: {  	v1 =	vld [tilespmem:s12+$0xFFFFFFD0];
	_ =	sdelay $0x4  }
0x14d: {  	[tilespmem:$0x187C0] =	vst v1  }
0x14e: {  	[spmem:s3] =	stream.indirect.scatter.add.f32 [tilespmem:s24], [sflag:$0x4], $0x80, s6, s23, $0xb8;
	v63 =	vld [tilespmem:$0x0]  }
0x14f: {  	_ =	swait.ge [sflag:s7], $0x2800  }
0x150: {  	[sflag:s7] =	ssyncset.done $0x0  }
0x151: {  	[sflag:s7] =	ssyncadd.s32 $0xFFFFD800  }
0x152: {  	_ =	swait.ge [sflag:s30], $0x2800  }
0x153: {  	[sflag:s30] =	ssyncset.done $0x0  }
0x154: {  	s15 =	simm.s32 $0x13970;
	[sflag:s30] =	ssyncadd.s32 $0xFFFFD800  }
0x155: {  	[tilespmem:s24], [sflag:$0x1] =	stream.indirect.gather [hbm4b:s21+s23], $0x80, s15, s23, $0xb8;
	v63 =	vld [tilespmem:$0x0]  }
0x156: {  	v1 =	vld [tilespmem:s12+$0xFFFFFFE0];
	_ =	sdelay $0x4  }
0x157: {  	[tilespmem:$0x18780] =	vst v1  }
0x158: {  	v1 =	vld [tilespmem:s12+$0xFFFFFFF0];
	_ =	sdelay $0x4  }
0x159: {  	[tilespmem:$0x18790] =	vst v1  }
0x15a: {  	v1 =	vld [tilespmem:s12+$0x0];
	_ =	sdelay $0x3  }
0x15b: {  	s26 =	simm.s32 $0x0  }
0x15c: {  	s13 =	sand.u32 $0x3FF0, s26;
	[tilespmem:$0x187A0] =	vst v1  }
0x15d: {  	v1 =	vld [tilespmem:s13+$0x16080];
	_ =	sdelay $0x4  }
0x15e: {  	[tilespmem:$0x187B0] =	vst v1  }
0x15f: {  	v1 =	vld [tilespmem:s12+$0x20];
	_ =	sdelay $0x4  }
0x160: {  	[tilespmem:$0x187C0] =	vst v1  }
0x161: {  	[spmem:s3] =	stream.indirect.scatter.add.f32 [tilespmem:s5], [sflag:$0x4], $0x80, s6, s23, $0xb8;
	v63 =	vld [tilespmem:$0x0]  }
0x162: {  	_ =	swait.ge [sflag:s7], $0x2800  }
0x163: {  	[sflag:s7] =	ssyncset.done $0x0  }
0x164: {  	[sflag:s7] =	ssyncadd.s32 $0xFFFFD800  }
0x165: {  	_ =	swait.ge [sflag:s31], $0x2800  }
0x166: {  	[sflag:s31] =	ssyncset.done $0x0  }
0x167: {  	s13 =	simm.s32 $0x139C0;
	[sflag:s31] =	ssyncadd.s32 $0xFFFFD800  }
0x168: {  	[tilespmem:s5], [sflag:$0x2] =	stream.indirect.gather [hbm4b:s21+s23], $0x80, s13, s23, $0xb8;
	v63 =	vld [tilespmem:$0x0]  }
0x169: {  	v1 =	vld [tilespmem:s12+$0x30];
	_ =	sdelay $0x4  }
0x16a: {  	[tilespmem:$0x18780] =	vst v1  }
0x16b: {  	v1 =	vld [tilespmem:s12+$0x40];
	_ =	sdelay $0x4  }
0x16c: {  	[tilespmem:$0x18790] =	vst v1  }
0x16d: {  	v1 =	vld [tilespmem:s12+$0x50];
	_ =	sdelay $0x4  }
0x16e: {  	[tilespmem:$0x187A0] =	vst v1  }
0x16f: {  	v1 =	vld [tilespmem:s12+$0x60];
	_ =	sdelay $0x4  }
0x170: {  	[tilespmem:$0x187B0] =	vst v1  }
0x171: {  	v1 =	vld [tilespmem:s12+$0x70];
	_ =	sdelay $0x4  }
0x172: {  	[tilespmem:$0x187C0] =	vst v1  }
0x173: {  	[spmem:s3] =	stream.indirect.scatter.add.f32 [tilespmem:s1], [sflag:$0x4], $0x80, s6, s23, $0xb8;
	v63 =	vld [tilespmem:$0x0]  }
0x174: {  	_ =	swait.ge [sflag:s7], $0x2800  }
0x175: {  	s14 =	simm.s32 $0xF0;
	[sflag:s7] =	ssyncset.done $0x0  }
.LBB2_8:
0x176: {  	[sflag:s7] =	ssyncadd.s32 $0xFFFFD800  }
0x177: {  	s13 =	sadd.s32 $0xF0, s13;
	s12 =	sadd.s32 $0xF0, s12;
	s15 =	smov.u32 s14  }
0x178: {  	p2 =	sne.s32 s14, $0x2580;
	s14 =	sadd.s32 $0xF0, s14;
	_ =	swait.ge [sflag:s0], $0x2800  }
0x179: {  	[sflag:s0] =	ssyncset.done $0x0  }
0x17a: {  	s26 =	sadd.s32 $0xFFFFFF60, s13;
	[sflag:s0] =	ssyncadd.s32 $0xFFFFD800  }
0x17b: {  	[tilespmem:s1], [sflag:$0x3] =	stream.indirect.gather [hbm4b:s21+s23], $0x80, s26, s23, $0xb8;
	v63 =	vld [tilespmem:$0x0]  }
0x17c: {  	v1 =	vld [tilespmem:s12+$0xFFFFFF90];
	_ =	sdelay $0x4  }
0x17d: {  	[tilespmem:$0x18780] =	vst v1  }
0x17e: {  	v1 =	vld [tilespmem:s12+$0xFFFFFFA0];
	_ =	sdelay $0x4  }
0x17f: {  	[tilespmem:$0x18790] =	vst v1  }
0x180: {  	v1 =	vld [tilespmem:s12+$0xFFFFFFB0];
	_ =	sdelay $0x4  }
0x181: {  	[tilespmem:$0x187A0] =	vst v1  }
0x182: {  	v1 =	vld [tilespmem:s12+$0xFFFFFFC0];
	_ =	sdelay $0x4  }
0x183: {  	[tilespmem:$0x187B0] =	vst v1  }
0x184: {  	v1 =	vld [tilespmem:s12+$0xFFFFFFD0];
	_ =	sdelay $0x4  }
0x185: {  	[tilespmem:$0x187C0] =	vst v1  }
0x186: {  	[spmem:s3] =	stream.indirect.scatter.add.f32 [tilespmem:s24], [sflag:$0x4], $0x80, s6, s23, $0xb8;
	v63 =	vld [tilespmem:$0x0]  }
0x187: {  	_ =	swait.ge [sflag:s7], $0x2800  }
0x188: {  	[sflag:s7] =	ssyncset.done $0x0  }
0x189: {  	[sflag:s7] =	ssyncadd.s32 $0xFFFFD800  }
0x18a: {  	_ =	swait.ge [sflag:s30], $0x2800  }
0x18b: {  	[sflag:s30] =	ssyncset.done $0x0  }
0x18c: {  	s26 =	sadd.s32 $0xFFFFFFB0, s13;
	[sflag:s30] =	ssyncadd.s32 $0xFFFFD800  }
0x18d: {  	[tilespmem:s24], [sflag:$0x1] =	stream.indirect.gather [hbm4b:s21+s23], $0x80, s26, s23, $0xb8;
	v63 =	vld [tilespmem:$0x0]  }
0x18e: {  	v1 =	vld [tilespmem:s12+$0xFFFFFFE0];
	_ =	sdelay $0x4  }
0x18f: {  	[tilespmem:$0x18780] =	vst v1  }
0x190: {  	v1 =	vld [tilespmem:s12+$0xFFFFFFF0];
	_ =	sdelay $0x4  }
0x191: {  	[tilespmem:$0x18790] =	vst v1  }
0x192: {  	v1 =	vld [tilespmem:s12+$0x0];
	_ =	sdelay $0x4  }
0x193: {  	s15 =	sand.u32 $0x3FF0, s15;
	[tilespmem:$0x187A0] =	vst v1  }
0x194: {  	v1 =	vld [tilespmem:s15+$0x16080];
	_ =	sdelay $0x4  }
0x195: {  	[tilespmem:$0x187B0] =	vst v1  }
0x196: {  	v1 =	vld [tilespmem:s12+$0x20];
	_ =	sdelay $0x4  }
0x197: {  	[tilespmem:$0x187C0] =	vst v1  }
0x198: {  	[spmem:s3] =	stream.indirect.scatter.add.f32 [tilespmem:s5], [sflag:$0x4], $0x80, s6, s23, $0xb8;
	v63 =	vld [tilespmem:$0x0]  }
0x199: {  	_ =	swait.ge [sflag:s7], $0x2800  }
0x19a: {  	[sflag:s7] =	ssyncset.done $0x0  }
0x19b: {  	[sflag:s7] =	ssyncadd.s32 $0xFFFFD800  }
0x19c: {  	_ =	swait.ge [sflag:s31], $0x2800  }
0x19d: {  	[sflag:s31] =	ssyncset.done $0x0  }
0x19e: {  	[sflag:s31] =	ssyncadd.s32 $0xFFFFD800  }
0x19f: {  	[tilespmem:s5], [sflag:$0x2] =	stream.indirect.gather [hbm4b:s21+s23], $0x80, s13, s23, $0xb8;
	v63 =	vld [tilespmem:$0x0]  }
0x1a0: {  	v1 =	vld [tilespmem:s12+$0x30];
	_ =	sdelay $0x4  }
0x1a1: {  	[tilespmem:$0x18780] =	vst v1  }
0x1a2: {  	v1 =	vld [tilespmem:s12+$0x40];
	_ =	sdelay $0x4  }
0x1a3: {  	[tilespmem:$0x18790] =	vst v1  }
0x1a4: {  	v1 =	vld [tilespmem:s12+$0x50];
	_ =	sdelay $0x4  }
0x1a5: {  	[tilespmem:$0x187A0] =	vst v1  }
0x1a6: {  	v1 =	vld [tilespmem:s12+$0x60];
	_ =	sdelay $0x4  }
0x1a7: {  	[tilespmem:$0x187B0] =	vst v1  }
0x1a8: {  	v1 =	vld [tilespmem:s12+$0x70];
	_ =	sdelay $0x3  }
.Ltmp6:
0x1a9: {  	(pc) =	sbr.rel @p2 .LBB2_8-.Ltmp6, $4  }
0x1aa: {  	[tilespmem:$0x187C0] =	vst v1  }
0x1ab: {  	[spmem:s3] =	stream.indirect.scatter.add.f32 [tilespmem:s1], [sflag:$0x4], $0x80, s6, s23, $0xb8;
	v63 =	vld [tilespmem:$0x0]  }
0x1ac: {  	_ =	swait.ge [sflag:s7], $0x2800  }
0x1ad: {  	[sflag:s7] =	ssyncset.done $0x0  }
.Ltmp7:
0x1ae: {  	_ = 	snop;
	(pc) =	sbr.rel .LBB2_9-.Ltmp7, $1  }
0x1af: {  	_ =	sdelay $0x3  }
.LBB2_11:
0x1b0: {  	_ =	sfence.sel $0x180000  }
0x1b1: {  	[bflag:$0x0] =	sbarrier.arrive $0xFFFF  }
0x1b2: {  	_ =	strace $0x90000047  }
0x1b3: {  	s0 =	stileid.u32;
	[bflag:$0x2] =	sbarrier.arrive $0xFFFF  }
0x1b4: {  	p0 =	sne.s32 s0, $0x0;
	s0 =	rddreg [dreg:$0x3]  }
0x1b5: {  	s0 =	sadd.s32 @!p0 $0x100000, s0  }
0x1b6: {  	[sflag:s0] =	ssyncadd.tile.s32 @!p0 $0x1;
	_ =	shalt  }
.Lfunc_end2:
_tile_overlayer_lowered:
.L_overlay_start_2:
0x1b7: {  	(tag) =	ssettag $0x2  }
0x1b8: {  	s0 =	rddreg [dreg:$0x0];
	s2 =	stileid.u32  }
0x1b9: {  	s1 =	rddreg [dreg:$0x1];
	p0 =	sne.s32 s2, $0x0  }
0x1ba: {  	s3 =	rddreg [dreg:$0x2];
	[bflag:$0x3] =	sbarrier.arrive $0xFFFF;
	s2 =	simm.s32 @!p0 $0x1C04  }
0x1bb: {  	[timem:s3], [sflag:s2] =	dma.local @!p0 [hbm:s0], s1  }
0x1bc: {  	s0 =	simm.s32 @!p0 $0x4  }
0x1bd: {  	_ =	swait.ge @!p0 [sflag:s0], s1  }
0x1be: {  	s1 =	ssub.s32 @!p0 $0x0, s1;
	[sflag:s0] =	ssyncset.done @!p0 $0x0  }
0x1bf: {  	[sflag:s0] =	ssyncadd.s32 @!p0 s1  }
0x1c0: {  	[bflag:$0x3] =	sbarrier.arrive $0xFFFF  }
0x1c1: {  	_ =	shalt  }

</sc_bundles>
